<compile_context>
chip_gen: v7x
topology: tpu7x:2x2x1
jax: 0.10.2.dev20260603
libtpu: 0.0.44.dev20260713+nightly
codegen_flags: <defaults>
</compile_context>

<pallas_src>
import functools

import jax
import jax.numpy as jnp
from jax import lax
from jax.experimental import pallas as pl
from jax.experimental.pallas import tpu as pltpu
from jax.experimental.pallas import tpu_sc as plsc

_B, _D, _N = 4, 3, 4096
_SN = 1024
_NCHUNK = 32

_NC, _NS, _L = 2, 16, 16
_NW = _NC * _NS
_CPW = _B * _N // _NW


def _select_body(src_ref, tgt_ref, colf_ref, idx_ref):
    s = src_ref[0]
    t = tgt_ref[0]
    s2 = jnp.sum(s * s, axis=0)
    t2 = jnp.sum(t * t, axis=0)
    s2h = s2.astype(jnp.bfloat16)
    s2r = s2 - s2h.astype(jnp.float32)
    s2m = s2r.astype(jnp.bfloat16)
    s2l = (s2r - s2m.astype(jnp.float32)).astype(jnp.bfloat16)
    t2h = t2.astype(jnp.bfloat16)
    t2r = t2 - t2h.astype(jnp.float32)
    t2m = t2r.astype(jnp.bfloat16)
    t2l = (t2r - t2m.astype(jnp.float32)).astype(jnp.bfloat16)
    a_aug = jnp.concatenate(
        [
            s.astype(jnp.bfloat16),
            s2h[None], s2m[None], s2l[None],
            jnp.ones((3, _SN), jnp.bfloat16),
        ],
        axis=0,
    )
    b_aug = jnp.concatenate(
        [
            (t * (-2.0)).astype(jnp.bfloat16),
            jnp.ones((3, _N), jnp.bfloat16),
            t2h[None], t2m[None], t2l[None],
        ],
        axis=0,
    )
    colf = colf_ref[0]
    cw = _N // _NCHUNK
    run_v = jnp.full((_SN, cw), jnp.inf, jnp.float32)
    run_i = jnp.zeros((_SN, cw), jnp.float32)
    for k in range(_NCHUNK):
        ck = jax.lax.dot_general(
            a_aug, b_aug[:, k * cw:(k + 1) * cw], (((0,), (0,)), ((), ())),
            preferred_element_type=jnp.float32,
        )
        m = ck < run_v
        run_v = jnp.where(m, ck, run_v)
        run_i = jnp.where(m, colf[None, k * cw:(k + 1) * cw], run_i)
    row_min = jnp.min(run_v, axis=1)
    first = jnp.min(
        jnp.where(run_v == row_min[:, None], run_i, float(_N)), axis=1
    )
    idx_ref[...] = first.astype(jnp.int32)


def _select_indices(source_point_cloud, target_point_cloud):
    grid = (_B, _N // _SN)
    colf = jax.lax.broadcasted_iota(jnp.float32, (1, _N), 1)
    idx = pl.pallas_call(
        _select_body,
        grid=grid,
        in_specs=[
            pl.BlockSpec((1, _D, _SN), lambda b, i: (b, 0, i)),
            pl.BlockSpec((1, _D, _N), lambda b, i: (b, 0, 0)),
            pl.BlockSpec((1, _N), lambda b, i: (0, 0)),
        ],
        out_specs=pl.BlockSpec((_SN,), lambda b, i: (b * (_N // _SN) + i,)),
        out_shape=jax.ShapeDtypeStruct((_B * _N,), jnp.int32),
    )(source_point_cloud, target_point_cloud, colf)
    return idx


_SC_MESH = plsc.VectorSubcoreMesh(
    core_axis_name="c", subcore_axis_name="s", num_cores=_NC, num_subcores=_NS
)


@functools.partial(
    pl.kernel,
    mesh=_SC_MESH,
    compiler_params=pltpu.CompilerParams(needs_layout_passes=False),
    out_type=jax.ShapeDtypeStruct((_NW * _L,), jnp.float32),
    scratch_types=[
        [pltpu.VMEM((1, 1, _N), jnp.float32) for _ in range(_D)],
        [pltpu.VMEM((1, 1, _CPW), jnp.float32) for _ in range(_D)],
        pltpu.VMEM((_CPW,), jnp.int32),
        pltpu.VMEM((_L,), jnp.float32),
        [pltpu.SemaphoreType.DMA for _ in range(2 * _D + 1)],
    ],
)
def _sc_rescore(
    src_hbm, tgt_hbm, idx_hbm, out_hbm, tgt_v, src_v, idx_v, acc_v, sems
):
    wid = lax.axis_index("s") * _NC + lax.axis_index("c")
    chunks_per_batch = _N // _CPW
    b = wid // chunks_per_batch
    chunk = wid % chunks_per_batch
    base = chunk * _CPW
    copies = []
    for c in range(_D):
        copies.append(pltpu.async_copy(
            tgt_hbm.at[pl.ds(b, 1), pl.ds(c, 1), :], tgt_v[c], sems[2 * c]
        ))
        copies.append(pltpu.async_copy(
            src_hbm.at[pl.ds(b, 1), pl.ds(c, 1), pl.ds(base, _CPW)],
            src_v[c], sems[2 * c + 1],
        ))
    copies.append(
        pltpu.async_copy(idx_hbm.at[pl.ds(b * _N + base, _CPW)], idx_v, sems[6])
    )
    for cop in copies:
        cop.wait()
    zz = jnp.zeros((_L,), jnp.int32)
    lane = lax.iota(jnp.int32, _L)

    def body(j, acc):
        iv = idx_v[pl.ds(j * _L, _L)]
        sl = lane + j * _L
        for c in range(_D):
            tc = plsc.load_gather(tgt_v[c], [zz, zz, iv])
            sc = plsc.load_gather(src_v[c], [zz, zz, sl])
            d = sc - tc
            acc = acc + d * d
        return acc

    acc = lax.fori_loop(0, _CPW // _L, body, jnp.zeros((_L,), jnp.float32))
    acc_v[...] = acc * (1.0 / (3.0 * _N))
    pltpu.sync_copy(acc_v, out_hbm.at[pl.ds(wid * _L, _L)])


def kernel(source_point_cloud, target_point_cloud):
    idx = _select_indices(source_point_cloud, target_point_cloud)
    partials = _sc_rescore(source_point_cloud, target_point_cloud, idx)
    return partials.reshape(_B, (_N // _CPW) * _L).sum(axis=1)

# --- scband reference (transcript-rebuilt; emitter-appended) ---
"""Pipeline reference for scband-kdpoint-to-point-loss-39316130628223 (READ-ONLY COPY).

The authoritative reference and input builder live on the scoring server;
editing this copy changes nothing except your own understanding.
"""

import jax, jax.numpy as jnp
import numpy as np


def setup_inputs(seed: int = 0) -> dict:
    key = jax.random.key(seed)
    k1, k2 = jax.random.split(key)
    source_point_cloud = jax.random.normal(k1, (4, 3, 4096), dtype=jnp.float32)
    target_point_cloud = jax.random.normal(k2, (4, 3, 4096), dtype=jnp.float32)
    return {"source_point_cloud": source_point_cloud, "target_point_cloud": target_point_cloud}


def reference(source_point_cloud, target_point_cloud):
    # source_point_cloud: [B, 3, N], target_point_cloud: [B, 3, M]
    # Faithful translation: the scipy cKDTree exact nearest-neighbor query is
    # replaced by an exact brute-force nearest neighbor (argmin of pairwise
    # Euclidean distances), which yields the same correspondences.
    src = jnp.transpose(source_point_cloud, (0, 2, 1))  # [B, N, 3]
    tgt = jnp.transpose(target_point_cloud, (0, 2, 1))  # [B, M, 3]
    s2 = jnp.sum(src * src, axis=-1, keepdims=True)      # [B, N, 1]
    t2 = jnp.sum(tgt * tgt, axis=-1)[:, None, :]         # [B, 1, M]
    d2 = s2 + t2 - 2.0 * jnp.einsum('bnd,bmd->bnm', src, tgt)  # [B, N, M]
    idx = jnp.argmin(d2, axis=-1)                         # [B, N] nearest target per source point
    # gather corresponding target points (indices are constants, like detached KD-tree output)
    target_points = jnp.take_along_axis(tgt, idx[..., None], axis=1)  # [B, N, 3]
    # per-batch MSELoss (mean over all elements of the [1, 3, N] tensors)
    loss = jnp.mean((src - target_points) ** 2, axis=(1, 2))  # [B]
    return loss

if __name__ == "__main__":
    import jax
    _d = setup_inputs()
    print(jax.jit(kernel)(*tuple(_d.values())))

</pallas_src>

<mosaic_0001>
#map = affine_map<(d0, d1) -> (0, 0, 0)>
#map1 = affine_map<(d0, d1) -> (0)>
module attributes {stable_mosaic.version = 14 : i64} {
  func.func @_sc_rescore(%arg0: i32, %arg1: i32, %arg2: memref<4x3x4096xf32, #tpu.memory_space<hbm>>, %arg3: memref<4x3x4096xf32, #tpu.memory_space<hbm>>, %arg4: memref<16384xi32, #tpu.memory_space<hbm>>, %arg5: memref<512xf32, #tpu.memory_space<hbm>>, %arg6: memref<1x1x4096xf32, #tpu.memory_space<vmem>>, %arg7: memref<1x1x4096xf32, #tpu.memory_space<vmem>>, %arg8: memref<1x1x4096xf32, #tpu.memory_space<vmem>>, %arg9: memref<1x1x512xf32, #tpu.memory_space<vmem>>, %arg10: memref<1x1x512xf32, #tpu.memory_space<vmem>>, %arg11: memref<1x1x512xf32, #tpu.memory_space<vmem>>, %arg12: memref<512xi32, #tpu.memory_space<vmem>>, %arg13: memref<16xf32, #tpu.memory_space<vmem>>, %arg14: memref<!tpu.dma_semaphore, #tpu.memory_space<semaphore_mem>>, %arg15: memref<!tpu.dma_semaphore, #tpu.memory_space<semaphore_mem>>, %arg16: memref<!tpu.dma_semaphore, #tpu.memory_space<semaphore_mem>>, %arg17: memref<!tpu.dma_semaphore, #tpu.memory_space<semaphore_mem>>, %arg18: memref<!tpu.dma_semaphore, #tpu.memory_space<semaphore_mem>>, %arg19: memref<!tpu.dma_semaphore, #tpu.memory_space<semaphore_mem>>, %arg20: memref<!tpu.dma_semaphore, #tpu.memory_space<semaphore_mem>>) attributes {dimension_semantics = [#tpu.dimension_semantics<core_parallel>, #tpu.dimension_semantics<subcore_parallel>], iteration_bounds = array<i64: 2, 16>, scalar_prefetch = 0 : i64, scratch_operands = 15 : i64, tpu.core_type = #tpu.core_type<sc_vector_subcore>, window_params = [{transform_indices = #map}, {transform_indices = #map}, {transform_indices = #map1}, {transform_indices = #map1}]} {
    %mul3A = arith.constant 2 : i32
    %mul3A_0 = arith.muli %arg1, %mul3A : i32
    %add3A = arith.addi %mul3A_0, %arg0 : i32
    %jit3A = arith.constant 8 : i32
    %div3A = arith.divsi %add3A, %jit3A : i32
    %sign3A = arith.constant 0 : i32
    %sign3A_1 = arith.cmpi sgt, %add3A, %sign3A : i32
    %sign3A_2 = arith.extui %sign3A_1 : i1 to i32
    %sign3A_3 = arith.constant 0 : i32
    %sign3A_4 = arith.cmpi slt, %add3A, %sign3A_3 : i32
    %sign3A_5 = arith.extui %sign3A_4 : i1 to i32
    %sign3A_6 = arith.subi %sign3A_2, %sign3A_5 : i32
    %sign3A_7 = arith.constant 0 : i32
    %sign3A_8 = arith.cmpi sgt, %jit3A, %sign3A_7 : i32
    %sign3A_9 = arith.extui %sign3A_8 : i1 to i32
    %sign3A_10 = arith.constant 0 : i32
    %sign3A_11 = arith.cmpi slt, %jit3A, %sign3A_10 : i32
    %sign3A_12 = arith.extui %sign3A_11 : i1 to i32
    %sign3A_13 = arith.subi %sign3A_9, %sign3A_12 : i32
    %ne3A = arith.cmpi ne, %sign3A_6, %sign3A_13 : i32
    %rem3A = arith.remsi %add3A, %jit3A : i32
    %ne3A_14 = arith.constant 0 : i32
    %ne3A_15 = arith.cmpi ne, %rem3A, %ne3A_14 : i32
    %and3A = arith.andi %ne3A, %ne3A_15 : i1
    %sub3A = arith.constant 1 : i32
    %sub3A_16 = arith.subi %div3A, %sub3A : i32
    %select_n3A = arith.select %and3A, %sub3A_16, %div3A : i32
    %jit3A_17 = arith.constant 8 : i32
    %eq3A = arith.constant 0 : i32
    %eq3A_18 = arith.cmpi eq, %jit3A_17, %eq3A : i32
    %jit3A_19 = arith.constant 1 : i32
    %select_n3A_20 = arith.select %eq3A_18, %jit3A_19, %jit3A_17 : i32
    %rem3A_21 = arith.remsi %add3A, %select_n3A_20 : i32
    %ne3A_22 = arith.constant 0 : i32
    %ne3A_23 = arith.cmpi ne, %rem3A_21, %ne3A_22 : i32
    %lt3A = arith.constant 0 : i32
    %lt3A_24 = arith.cmpi slt, %rem3A_21, %lt3A : i32
    %lt3A_25 = arith.constant 0 : i32
    %lt3A_26 = arith.cmpi slt, %select_n3A_20, %lt3A_25 : i32
    %ne3A_27 = arith.xori %lt3A_24, %lt3A_26 : i1
    %and3A_28 = arith.andi %ne3A_27, %ne3A_23 : i1
    %add3A_29 = arith.addi %rem3A_21, %select_n3A_20 : i32
    %select_n3A_30 = arith.select %and3A_28, %add3A_29, %rem3A_21 : i32
    %mul3A_31 = arith.constant 512 : i32
    %mul3A_32 = arith.muli %select_n3A_30, %mul3A_31 : i32
    %dma_start3A = arith.constant 0 : i32
    %dma_start3A_33 = arith.constant 0 : i32
    %dma_start3A_34 = tpu.memref_slice %arg3[%select_n3A, %dma_start3A, %dma_start3A_33] : memref<4x3x4096xf32, #tpu.memory_space<hbm>> -> memref<1x1x4096xf32, #tpu.memory_space<hbm>>
    %dma_start3A_35 = arith.constant 0 : i32
    %dma_start3A_36 = arith.constant 0 : i32
    %dma_start3A_37 = tpu.memref_slice %arg3[%select_n3A, %dma_start3A_35, %dma_start3A_36] : memref<4x3x4096xf32, #tpu.memory_space<hbm>> -> memref<1x1x4096xf32, #tpu.memory_space<hbm>>
    tpu.enqueue_dma source(%dma_start3A_37 : memref<1x1x4096xf32, #tpu.memory_space<hbm>>) target(%arg6 : memref<1x1x4096xf32, #tpu.memory_space<vmem>>) target_semaphore(%arg14 : memref<!tpu.dma_semaphore, #tpu.memory_space<semaphore_mem>>)
    %dma_start3A_38 = arith.constant 0 : i32
    %dma_start3A_39 = tpu.memref_slice %arg2[%select_n3A, %dma_start3A_38, %mul3A_32] : memref<4x3x4096xf32, #tpu.memory_space<hbm>> -> memref<1x1x512xf32, #tpu.memory_space<hbm>>
    %dma_start3A_40 = arith.constant 0 : i32
    %dma_start3A_41 = tpu.memref_slice %arg2[%select_n3A, %dma_start3A_40, %mul3A_32] : memref<4x3x4096xf32, #tpu.memory_space<hbm>> -> memref<1x1x512xf32, #tpu.memory_space<hbm>>
    tpu.enqueue_dma source(%dma_start3A_41 : memref<1x1x512xf32, #tpu.memory_space<hbm>>) target(%arg9 : memref<1x1x512xf32, #tpu.memory_space<vmem>>) target_semaphore(%arg15 : memref<!tpu.dma_semaphore, #tpu.memory_space<semaphore_mem>>)
    %dma_start3A_42 = arith.constant 1 : i32
    %dma_start3A_43 = arith.constant 0 : i32
    %dma_start3A_44 = tpu.memref_slice %arg3[%select_n3A, %dma_start3A_42, %dma_start3A_43] : memref<4x3x4096xf32, #tpu.memory_space<hbm>> -> memref<1x1x4096xf32, #tpu.memory_space<hbm>>
    %dma_start3A_45 = arith.constant 1 : i32
    %dma_start3A_46 = arith.constant 0 : i32
    %dma_start3A_47 = tpu.memref_slice %arg3[%select_n3A, %dma_start3A_45, %dma_start3A_46] : memref<4x3x4096xf32, #tpu.memory_space<hbm>> -> memref<1x1x4096xf32, #tpu.memory_space<hbm>>
    tpu.enqueue_dma source(%dma_start3A_47 : memref<1x1x4096xf32, #tpu.memory_space<hbm>>) target(%arg7 : memref<1x1x4096xf32, #tpu.memory_space<vmem>>) target_semaphore(%arg16 : memref<!tpu.dma_semaphore, #tpu.memory_space<semaphore_mem>>)
    %dma_start3A_48 = arith.constant 1 : i32
    %dma_start3A_49 = tpu.memref_slice %arg2[%select_n3A, %dma_start3A_48, %mul3A_32] : memref<4x3x4096xf32, #tpu.memory_space<hbm>> -> memref<1x1x512xf32, #tpu.memory_space<hbm>>
    %dma_start3A_50 = arith.constant 1 : i32
    %dma_start3A_51 = tpu.memref_slice %arg2[%select_n3A, %dma_start3A_50, %mul3A_32] : memref<4x3x4096xf32, #tpu.memory_space<hbm>> -> memref<1x1x512xf32, #tpu.memory_space<hbm>>
    tpu.enqueue_dma source(%dma_start3A_51 : memref<1x1x512xf32, #tpu.memory_space<hbm>>) target(%arg10 : memref<1x1x512xf32, #tpu.memory_space<vmem>>) target_semaphore(%arg17 : memref<!tpu.dma_semaphore, #tpu.memory_space<semaphore_mem>>)
    %dma_start3A_52 = arith.constant 2 : i32
    %dma_start3A_53 = arith.constant 0 : i32
    %dma_start3A_54 = tpu.memref_slice %arg3[%select_n3A, %dma_start3A_52, %dma_start3A_53] : memref<4x3x4096xf32, #tpu.memory_space<hbm>> -> memref<1x1x4096xf32, #tpu.memory_space<hbm>>
    %dma_start3A_55 = arith.constant 2 : i32
    %dma_start3A_56 = arith.constant 0 : i32
    %dma_start3A_57 = tpu.memref_slice %arg3[%select_n3A, %dma_start3A_55, %dma_start3A_56] : memref<4x3x4096xf32, #tpu.memory_space<hbm>> -> memref<1x1x4096xf32, #tpu.memory_space<hbm>>
    tpu.enqueue_dma source(%dma_start3A_57 : memref<1x1x4096xf32, #tpu.memory_space<hbm>>) target(%arg8 : memref<1x1x4096xf32, #tpu.memory_space<vmem>>) target_semaphore(%arg18 : memref<!tpu.dma_semaphore, #tpu.memory_space<semaphore_mem>>)
    %dma_start3A_58 = arith.constant 2 : i32
    %dma_start3A_59 = tpu.memref_slice %arg2[%select_n3A, %dma_start3A_58, %mul3A_32] : memref<4x3x4096xf32, #tpu.memory_space<hbm>> -> memref<1x1x512xf32, #tpu.memory_space<hbm>>
    %dma_start3A_60 = arith.constant 2 : i32
    %dma_start3A_61 = tpu.memref_slice %arg2[%select_n3A, %dma_start3A_60, %mul3A_32] : memref<4x3x4096xf32, #tpu.memory_space<hbm>> -> memref<1x1x512xf32, #tpu.memory_space<hbm>>
    tpu.enqueue_dma source(%dma_start3A_61 : memref<1x1x512xf32, #tpu.memory_space<hbm>>) target(%arg11 : memref<1x1x512xf32, #tpu.memory_space<vmem>>) target_semaphore(%arg19 : memref<!tpu.dma_semaphore, #tpu.memory_space<semaphore_mem>>)
    %mul3A_62 = arith.constant 4096 : i32
    %mul3A_63 = arith.muli %select_n3A, %mul3A_62 : i32
    %add3A_64 = arith.addi %mul3A_63, %mul3A_32 : i32
    %dma_start3A_65 = tpu.memref_slice %arg4[%add3A_64] : memref<16384xi32, #tpu.memory_space<hbm>> -> memref<512xi32, #tpu.memory_space<hbm>>
    %dma_start3A_66 = tpu.memref_slice %arg4[%add3A_64] : memref<16384xi32, #tpu.memory_space<hbm>> -> memref<512xi32, #tpu.memory_space<hbm>>
    tpu.enqueue_dma source(%dma_start3A_66 : memref<512xi32, #tpu.memory_space<hbm>>) target(%arg12 : memref<512xi32, #tpu.memory_space<vmem>>) target_semaphore(%arg20 : memref<!tpu.dma_semaphore, #tpu.memory_space<semaphore_mem>>)
    %dma_wait3A = arith.constant 0 : i32
    %dma_wait3A_67 = arith.constant 0 : i32
    %dma_wait3A_68 = tpu.memref_slice %arg3[%select_n3A, %dma_wait3A, %dma_wait3A_67] : memref<4x3x4096xf32, #tpu.memory_space<hbm>> -> memref<1x1x4096xf32, #tpu.memory_space<hbm>>
    %dma_wait3A_69 = arith.constant 0 : i32
    %dma_wait3A_70 = arith.constant 0 : i32
    %dma_wait3A_71 = tpu.memref_slice %arg3[%select_n3A, %dma_wait3A_69, %dma_wait3A_70] : memref<4x3x4096xf32, #tpu.memory_space<hbm>> -> memref<1x1x4096xf32, #tpu.memory_space<hbm>>
    tpu.wait_dma2 semaphore(%arg14 : memref<!tpu.dma_semaphore, #tpu.memory_space<semaphore_mem>>) src(%dma_wait3A_71 : memref<1x1x4096xf32, #tpu.memory_space<hbm>>) dst(%arg6 : memref<1x1x4096xf32, #tpu.memory_space<vmem>>)
    %dma_wait3A_72 = arith.constant 0 : i32
    %dma_wait3A_73 = tpu.memref_slice %arg2[%select_n3A, %dma_wait3A_72, %mul3A_32] : memref<4x3x4096xf32, #tpu.memory_space<hbm>> -> memref<1x1x512xf32, #tpu.memory_space<hbm>>
    %dma_wait3A_74 = arith.constant 0 : i32
    %dma_wait3A_75 = tpu.memref_slice %arg2[%select_n3A, %dma_wait3A_74, %mul3A_32] : memref<4x3x4096xf32, #tpu.memory_space<hbm>> -> memref<1x1x512xf32, #tpu.memory_space<hbm>>
    tpu.wait_dma2 semaphore(%arg15 : memref<!tpu.dma_semaphore, #tpu.memory_space<semaphore_mem>>) src(%dma_wait3A_75 : memref<1x1x512xf32, #tpu.memory_space<hbm>>) dst(%arg9 : memref<1x1x512xf32, #tpu.memory_space<vmem>>)
    %dma_wait3A_76 = arith.constant 1 : i32
    %dma_wait3A_77 = arith.constant 0 : i32
    %dma_wait3A_78 = tpu.memref_slice %arg3[%select_n3A, %dma_wait3A_76, %dma_wait3A_77] : memref<4x3x4096xf32, #tpu.memory_space<hbm>> -> memref<1x1x4096xf32, #tpu.memory_space<hbm>>
    %dma_wait3A_79 = arith.constant 1 : i32
    %dma_wait3A_80 = arith.constant 0 : i32
    %dma_wait3A_81 = tpu.memref_slice %arg3[%select_n3A, %dma_wait3A_79, %dma_wait3A_80] : memref<4x3x4096xf32, #tpu.memory_space<hbm>> -> memref<1x1x4096xf32, #tpu.memory_space<hbm>>
    tpu.wait_dma2 semaphore(%arg16 : memref<!tpu.dma_semaphore, #tpu.memory_space<semaphore_mem>>) src(%dma_wait3A_81 : memref<1x1x4096xf32, #tpu.memory_space<hbm>>) dst(%arg7 : memref<1x1x4096xf32, #tpu.memory_space<vmem>>)
    %dma_wait3A_82 = arith.constant 1 : i32
    %dma_wait3A_83 = tpu.memref_slice %arg2[%select_n3A, %dma_wait3A_82, %mul3A_32] : memref<4x3x4096xf32, #tpu.memory_space<hbm>> -> memref<1x1x512xf32, #tpu.memory_space<hbm>>
    %dma_wait3A_84 = arith.constant 1 : i32
    %dma_wait3A_85 = tpu.memref_slice %arg2[%select_n3A, %dma_wait3A_84, %mul3A_32] : memref<4x3x4096xf32, #tpu.memory_space<hbm>> -> memref<1x1x512xf32, #tpu.memory_space<hbm>>
    tpu.wait_dma2 semaphore(%arg17 : memref<!tpu.dma_semaphore, #tpu.memory_space<semaphore_mem>>) src(%dma_wait3A_85 : memref<1x1x512xf32, #tpu.memory_space<hbm>>) dst(%arg10 : memref<1x1x512xf32, #tpu.memory_space<vmem>>)
    %dma_wait3A_86 = arith.constant 2 : i32
    %dma_wait3A_87 = arith.constant 0 : i32
    %dma_wait3A_88 = tpu.memref_slice %arg3[%select_n3A, %dma_wait3A_86, %dma_wait3A_87] : memref<4x3x4096xf32, #tpu.memory_space<hbm>> -> memref<1x1x4096xf32, #tpu.memory_space<hbm>>
    %dma_wait3A_89 = arith.constant 2 : i32
    %dma_wait3A_90 = arith.constant 0 : i32
    %dma_wait3A_91 = tpu.memref_slice %arg3[%select_n3A, %dma_wait3A_89, %dma_wait3A_90] : memref<4x3x4096xf32, #tpu.memory_space<hbm>> -> memref<1x1x4096xf32, #tpu.memory_space<hbm>>
    tpu.wait_dma2 semaphore(%arg18 : memref<!tpu.dma_semaphore, #tpu.memory_space<semaphore_mem>>) src(%dma_wait3A_91 : memref<1x1x4096xf32, #tpu.memory_space<hbm>>) dst(%arg8 : memref<1x1x4096xf32, #tpu.memory_space<vmem>>)
    %dma_wait3A_92 = arith.constant 2 : i32
    %dma_wait3A_93 = tpu.memref_slice %arg2[%select_n3A, %dma_wait3A_92, %mul3A_32] : memref<4x3x4096xf32, #tpu.memory_space<hbm>> -> memref<1x1x512xf32, #tpu.memory_space<hbm>>
    %dma_wait3A_94 = arith.constant 2 : i32
    %dma_wait3A_95 = tpu.memref_slice %arg2[%select_n3A, %dma_wait3A_94, %mul3A_32] : memref<4x3x4096xf32, #tpu.memory_space<hbm>> -> memref<1x1x512xf32, #tpu.memory_space<hbm>>
    tpu.wait_dma2 semaphore(%arg19 : memref<!tpu.dma_semaphore, #tpu.memory_space<semaphore_mem>>) src(%dma_wait3A_95 : memref<1x1x512xf32, #tpu.memory_space<hbm>>) dst(%arg11 : memref<1x1x512xf32, #tpu.memory_space<vmem>>)
    %dma_wait3A_96 = tpu.memref_slice %arg4[%add3A_64] : memref<16384xi32, #tpu.memory_space<hbm>> -> memref<512xi32, #tpu.memory_space<hbm>>
    %dma_wait3A_97 = tpu.memref_slice %arg4[%add3A_64] : memref<16384xi32, #tpu.memory_space<hbm>> -> memref<512xi32, #tpu.memory_space<hbm>>
    tpu.wait_dma2 semaphore(%arg20 : memref<!tpu.dma_semaphore, #tpu.memory_space<semaphore_mem>>) src(%dma_wait3A_97 : memref<512xi32, #tpu.memory_space<hbm>>) dst(%arg12 : memref<512xi32, #tpu.memory_space<vmem>>)
    %broadcast_in_dim3A = arith.constant 0 : i32
    %broadcast_in_dim3A_98 = vector.broadcast %broadcast_in_dim3A : i32 to vector<16xi32>
    %iota3A = tpu.iota {dimensions = array<i32: 0>} : vector<16xi32>
    %broadcast_in_dim3A_99 = arith.constant 0.000000e+00 : f32
    %broadcast_in_dim3A_100 = vector.broadcast %broadcast_in_dim3A_99 : f32 to vector<16xf32>
    %scan3A = arith.constant 0 : i32
    %scan3A_101 = arith.constant 32 : i32
    %scan3A_102 = arith.addi %scan3A, %scan3A_101 : i32
    %scan3A_103 = arith.constant 1 : i32
    %scan3A_104 = scf.for %scan3A_112 = %scan3A to %scan3A_102 step %scan3A_103 iter_args(%scan3A_113 = %broadcast_in_dim3A_100) -> (vector<16xf32>)  : i32 {
      %mul3A_114 = arith.constant 16 : i32
      %mul3A_115 = arith.muli %scan3A_112, %mul3A_114 : i32
      %get3A = arith.index_cast %mul3A_115 : i32 to index
      %get3A_116 = tpu.vector_load %arg12[%get3A] {strides = array<i32>} : memref<512xi32, #tpu.memory_space<vmem>>, vector<16xi32>,
      %mul3A_117 = arith.constant 16 : i32
      %mul3A_118 = arith.muli %scan3A_112, %mul3A_117 : i32
      %add3A_119 = vector.broadcast %mul3A_118 : i32 to vector<16xi32>
      %add3A_120 = arith.addi %iota3A, %add3A_119 : vector<16xi32>
      %gather3A = tpu.vector_load_idx %arg6[%broadcast_in_dim3A_98, %broadcast_in_dim3A_98, %get3A_116] : memref<1x1x4096xf32, #tpu.memory_space<vmem>>[vector<16xi32>, vector<16xi32>, vector<16xi32>], vector<16xf32>,
      %gather3A_121 = tpu.vector_load_idx %arg9[%broadcast_in_dim3A_98, %broadcast_in_dim3A_98, %add3A_120] : memref<1x1x512xf32, #tpu.memory_space<vmem>>[vector<16xi32>, vector<16xi32>, vector<16xi32>], vector<16xf32>,
      %sub3A_122 = arith.subf %gather3A_121, %gather3A : vector<16xf32>
      %mul3A_123 = arith.mulf %sub3A_122, %sub3A_122 : vector<16xf32>
      %add3A_124 = arith.addf %scan3A_113, %mul3A_123 : vector<16xf32>
      %gather3A_125 = tpu.vector_load_idx %arg7[%broadcast_in_dim3A_98, %broadcast_in_dim3A_98, %get3A_116] : memref<1x1x4096xf32, #tpu.memory_space<vmem>>[vector<16xi32>, vector<16xi32>, vector<16xi32>], vector<16xf32>,
      %gather3A_126 = tpu.vector_load_idx %arg10[%broadcast_in_dim3A_98, %broadcast_in_dim3A_98, %add3A_120] : memref<1x1x512xf32, #tpu.memory_space<vmem>>[vector<16xi32>, vector<16xi32>, vector<16xi32>], vector<16xf32>,
      %sub3A_127 = arith.subf %gather3A_126, %gather3A_125 : vector<16xf32>
      %mul3A_128 = arith.mulf %sub3A_127, %sub3A_127 : vector<16xf32>
      %add3A_129 = arith.addf %add3A_124, %mul3A_128 : vector<16xf32>
      %gather3A_130 = tpu.vector_load_idx %arg8[%broadcast_in_dim3A_98, %broadcast_in_dim3A_98, %get3A_116] : memref<1x1x4096xf32, #tpu.memory_space<vmem>>[vector<16xi32>, vector<16xi32>, vector<16xi32>], vector<16xf32>,
      %gather3A_131 = tpu.vector_load_idx %arg11[%broadcast_in_dim3A_98, %broadcast_in_dim3A_98, %add3A_120] : memref<1x1x512xf32, #tpu.memory_space<vmem>>[vector<16xi32>, vector<16xi32>, vector<16xi32>], vector<16xf32>,
      %sub3A_132 = arith.subf %gather3A_131, %gather3A_130 : vector<16xf32>
      %mul3A_133 = arith.mulf %sub3A_132, %sub3A_132 : vector<16xf32>
      %add3A_134 = arith.addf %add3A_129, %mul3A_133 : vector<16xf32>
      scf.yield %add3A_134 : vector<16xf32>
    }
    %scan3A_105 = arith.constant 32 : i32
    %mul3A_106 = arith.constant 8.13802107E-5 : f32
    %mul3A_107 = vector.broadcast %mul3A_106 : f32 to vector<16xf32>
    %mul3A_108 = arith.mulf %scan3A_104, %mul3A_107 : vector<16xf32>
    %swap3A = arith.constant 0 : index
    %swap3A_109 = tpu.vector_load %arg13[%swap3A] {strides = array<i32>} : memref<16xf32, #tpu.memory_space<vmem>>, vector<16xf32>,
    tpu.vector_store %arg13[%swap3A], %mul3A_108 {strides = array<i32>} : memref<16xf32, #tpu.memory_space<vmem>>, vector<16xf32>,
    %mul3A_110 = arith.constant 16 : i32
    %mul3A_111 = arith.muli %add3A, %mul3A_110 : i32
    "tpu.region"() ({
      %run_scoped3A = tpu.sem_alloc : memref<!tpu.dma_semaphore, #tpu.memory_space<semaphore_mem>>
      %dma_start3A_112 = tpu.memref_slice %arg5[%mul3A_111] : memref<512xf32, #tpu.memory_space<hbm>> -> memref<16xf32, #tpu.memory_space<hbm>>
      %dma_start3A_113 = tpu.memref_slice %arg5[%mul3A_111] : memref<512xf32, #tpu.memory_space<hbm>> -> memref<16xf32, #tpu.memory_space<hbm>>
      tpu.enqueue_dma source(%arg13 : memref<16xf32, #tpu.memory_space<vmem>>) target(%dma_start3A_113 : memref<16xf32, #tpu.memory_space<hbm>>) target_semaphore(%run_scoped3A : memref<!tpu.dma_semaphore, #tpu.memory_space<semaphore_mem>>)
      %dma_wait3A_114 = tpu.memref_slice %arg5[%mul3A_111] : memref<512xf32, #tpu.memory_space<hbm>> -> memref<16xf32, #tpu.memory_space<hbm>>
      %dma_wait3A_115 = tpu.memref_slice %arg5[%mul3A_111] : memref<512xf32, #tpu.memory_space<hbm>> -> memref<16xf32, #tpu.memory_space<hbm>>
      tpu.wait_dma2 semaphore(%run_scoped3A : memref<!tpu.dma_semaphore, #tpu.memory_space<semaphore_mem>>) src(%arg13 : memref<16xf32, #tpu.memory_space<vmem>>) dst(%dma_wait3A_115 : memref<16xf32, #tpu.memory_space<hbm>>)
      tpu.yield
    }) : () -> ()
    return
  }
}

module attributes {stable_mosaic.version = 14 : i64} {
  func.func @_select_body(%arg0: i32, %arg1: i32, %arg2: memref<1x3x1024xf32, #tpu.memory_space<vmem>>, %arg3: memref<1x3x4096xf32, #tpu.memory_space<vmem>>, %arg4: memref<1x4096xf32, #tpu.memory_space<vmem>>, %arg5: memref<1024xi32, #tpu.memory_space<vmem>>) attributes {dimension_semantics = [#tpu.dimension_semantics<arbitrary>, #tpu.dimension_semantics<arbitrary>], iteration_bounds = array<i64: 4, 4>, scalar_prefetch = 0 : i64, scratch_operands = 0 : i64, tpu.core_type = #tpu.core_type<tc>, window_params = [{transform_indices = @transform_0, window_bounds = array<i64: 1, 3, 1024>}, {transform_indices = @transform_1, window_bounds = array<i64: 1, 3, 4096>}, {pipeline_mode = #tpu.pipeline_mode<synchronous>, transform_indices = @transform_2, window_bounds = array<i64: 1, 4096>}, {transform_indices = @transform_3, window_bounds = array<i64: 1024>}]} {
    %get3A = arith.constant 0 : index
    %get3A_0 = arith.constant 0 : index
    %get3A_1 = arith.constant 0 : index
    %get3A_2 = vector.load %arg2[%get3A, %get3A_0, %get3A_1] : memref<1x3x1024xf32, #tpu.memory_space<vmem>>, vector<1x3x1024xf32>
    %get3A_3 = vector.shape_cast %get3A_2 : vector<1x3x1024xf32> to vector<3x1024xf32>
    %get3A_4 = arith.constant 0 : index
    %get3A_5 = arith.constant 0 : index
    %get3A_6 = arith.constant 0 : index
    %get3A_7 = vector.load %arg3[%get3A_4, %get3A_5, %get3A_6] : memref<1x3x4096xf32, #tpu.memory_space<vmem>>, vector<1x3x4096xf32>
    %get3A_8 = vector.shape_cast %get3A_7 : vector<1x3x4096xf32> to vector<3x4096xf32>
    %mul3A = arith.mulf %get3A_3, %get3A_3 : vector<3x1024xf32>
    %reduce_sum3A = arith.constant dense<0.000000e+00> : vector<1024xf32>
    %reduce_sum3A_9 = vector.multi_reduction <add>, %mul3A, %reduce_sum3A [0] : vector<3x1024xf32> to vector<1024xf32>
    %mul3A_10 = arith.mulf %get3A_8, %get3A_8 : vector<3x4096xf32>
    %reduce_sum3A_11 = arith.constant dense<0.000000e+00> : vector<4096xf32>
    %reduce_sum3A_12 = vector.multi_reduction <add>, %mul3A_10, %reduce_sum3A_11 [0] : vector<3x4096xf32> to vector<4096xf32>
    %convert_element_type3A = arith.truncf %reduce_sum3A_9 : vector<1024xf32> to vector<1024xbf16>
    %convert_element_type3A_13 = arith.extf %convert_element_type3A : vector<1024xbf16> to vector<1024xf32>
    %sub3A = arith.subf %reduce_sum3A_9, %convert_element_type3A_13 : vector<1024xf32>
    %convert_element_type3A_14 = arith.truncf %sub3A : vector<1024xf32> to vector<1024xbf16>
    %convert_element_type3A_15 = arith.extf %convert_element_type3A_14 : vector<1024xbf16> to vector<1024xf32>
    %sub3A_16 = arith.subf %sub3A, %convert_element_type3A_15 : vector<1024xf32>
    %convert_element_type3A_17 = arith.truncf %sub3A_16 : vector<1024xf32> to vector<1024xbf16>
    %convert_element_type3A_18 = arith.truncf %reduce_sum3A_12 : vector<4096xf32> to vector<4096xbf16>
    %convert_element_type3A_19 = arith.extf %convert_element_type3A_18 : vector<4096xbf16> to vector<4096xf32>
    %sub3A_20 = arith.subf %reduce_sum3A_12, %convert_element_type3A_19 : vector<4096xf32>
    %convert_element_type3A_21 = arith.truncf %sub3A_20 : vector<4096xf32> to vector<4096xbf16>
    %convert_element_type3A_22 = arith.extf %convert_element_type3A_21 : vector<4096xbf16> to vector<4096xf32>
    %sub3A_23 = arith.subf %sub3A_20, %convert_element_type3A_22 : vector<4096xf32>
    %convert_element_type3A_24 = arith.truncf %sub3A_23 : vector<4096xf32> to vector<4096xbf16>
    %convert_element_type3A_25 = arith.truncf %get3A_3 : vector<3x1024xf32> to vector<3x1024xbf16>
    %broadcast_in_dim3A = vector.shape_cast %convert_element_type3A : vector<1024xbf16> to vector<1x1024xbf16>
    %broadcast_in_dim3A_26 = vector.shape_cast %convert_element_type3A_14 : vector<1024xbf16> to vector<1x1024xbf16>
    %broadcast_in_dim3A_27 = vector.shape_cast %convert_element_type3A_17 : vector<1024xbf16> to vector<1x1024xbf16>
    %broadcast_in_dim3A_28 = arith.constant 1.000000e+00 : bf16
    %broadcast_in_dim3A_29 = vector.broadcast %broadcast_in_dim3A_28 : bf16 to vector<3x1024xbf16>
    %concatenate3A = tpu.concatenate %convert_element_type3A_25, %broadcast_in_dim3A, %broadcast_in_dim3A_26, %broadcast_in_dim3A_27, %broadcast_in_dim3A_29 in 0 : vector<3x1024xbf16>, vector<1x1024xbf16>, vector<1x1024xbf16>, vector<1x1024xbf16>, vector<3x1024xbf16> -> vector<9x1024xbf16>
    %mul3A_30 = arith.constant -2.000000e+00 : f32
    %mul3A_31 = vector.broadcast %mul3A_30 : f32 to vector<3x4096xf32>
    %mul3A_32 = arith.mulf %get3A_8, %mul3A_31 : vector<3x4096xf32>
    %convert_element_type3A_33 = arith.truncf %mul3A_32 : vector<3x4096xf32> to vector<3x4096xbf16>
    %broadcast_in_dim3A_34 = arith.constant 1.000000e+00 : bf16
    %broadcast_in_dim3A_35 = vector.broadcast %broadcast_in_dim3A_34 : bf16 to vector<3x4096xbf16>
    %broadcast_in_dim3A_36 = vector.shape_cast %convert_element_type3A_18 : vector<4096xbf16> to vector<1x4096xbf16>
    %broadcast_in_dim3A_37 = vector.shape_cast %convert_element_type3A_21 : vector<4096xbf16> to vector<1x4096xbf16>
    %broadcast_in_dim3A_38 = vector.shape_cast %convert_element_type3A_24 : vector<4096xbf16> to vector<1x4096xbf16>
    %concatenate3A_39 = tpu.concatenate %convert_element_type3A_33, %broadcast_in_dim3A_35, %broadcast_in_dim3A_36, %broadcast_in_dim3A_37, %broadcast_in_dim3A_38 in 0 : vector<3x4096xbf16>, vector<3x4096xbf16>, vector<1x4096xbf16>, vector<1x4096xbf16>, vector<1x4096xbf16> -> vector<9x4096xbf16>
    %get3A_40 = arith.constant 0 : index
    %get3A_41 = arith.constant 0 : index
    %get3A_42 = vector.load %arg4[%get3A_40, %get3A_41] : memref<1x4096xf32, #tpu.memory_space<vmem>>, vector<1x4096xf32>
    %get3A_43 = vector.shape_cast %get3A_42 : vector<1x4096xf32> to vector<4096xf32>
    %broadcast_in_dim3A_44 = arith.constant 0x7F800000 : f32
    %broadcast_in_dim3A_45 = vector.broadcast %broadcast_in_dim3A_44 : f32 to vector<1024x128xf32>
    %broadcast_in_dim3A_46 = arith.constant 0.000000e+00 : f32
    %broadcast_in_dim3A_47 = vector.broadcast %broadcast_in_dim3A_46 : f32 to vector<1024x128xf32>
    %slice3A = vector.extract_strided_slice %concatenate3A_39 {offsets = [0, 0], sizes = [9, 128], strides = [1, 1]} : vector<9x4096xbf16> to vector<9x128xbf16>
    %dot_general3A = arith.constant dense<0.000000e+00> : vector<1024x128xf32>
    %dot_general3A_48 = tpu.matmul %concatenate3A, %slice3A, %dot_general3A {dimension_numbers = #tpu.dot_dimension_numbers<[0], [0], [1], [1], [0, 1, 1, 1], [], []>, transpose_lhs_hint = false} : vector<9x1024xbf16>, vector<9x128xbf16>, vector<1024x128xf32> -> vector<1024x128xf32>
    %lt3A = arith.cmpf olt, %dot_general3A_48, %broadcast_in_dim3A_45 : vector<1024x128xf32>
    %select_n3A = arith.select %lt3A, %dot_general3A_48, %broadcast_in_dim3A_45 : vector<1024x128xi1>, vector<1024x128xf32>
    %slice3A_49 = vector.extract_strided_slice %get3A_43 {offsets = [0], sizes = [128], strides = [1]} : vector<4096xf32> to vector<128xf32>
    %broadcast_in_dim3A_50 = vector.shape_cast %slice3A_49 : vector<128xf32> to vector<1x128xf32>
    %broadcast_in_dim3A_51 = vector.shape_cast %broadcast_in_dim3A_50 : vector<1x128xf32> to vector<1x128xf32>
    %broadcast_in_dim3A_52 = vector.broadcast %broadcast_in_dim3A_51 : vector<1x128xf32> to vector<1024x128xf32>
    %select_n3A_53 = arith.select %lt3A, %broadcast_in_dim3A_52, %broadcast_in_dim3A_47 : vector<1024x128xi1>, vector<1024x128xf32>
    %slice3A_54 = vector.extract_strided_slice %concatenate3A_39 {offsets = [0, 128], sizes = [9, 128], strides = [1, 1]} : vector<9x4096xbf16> to vector<9x128xbf16>
    %dot_general3A_55 = arith.constant dense<0.000000e+00> : vector<1024x128xf32>
    %dot_general3A_56 = tpu.matmul %concatenate3A, %slice3A_54, %dot_general3A_55 {dimension_numbers = #tpu.dot_dimension_numbers<[0], [0], [1], [1], [0, 1, 1, 1], [], []>, transpose_lhs_hint = false} : vector<9x1024xbf16>, vector<9x128xbf16>, vector<1024x128xf32> -> vector<1024x128xf32>
    %lt3A_57 = arith.cmpf olt, %dot_general3A_56, %select_n3A : vector<1024x128xf32>
    %select_n3A_58 = arith.select %lt3A_57, %dot_general3A_56, %select_n3A : vector<1024x128xi1>, vector<1024x128xf32>
    %slice3A_59 = vector.extract_strided_slice %get3A_43 {offsets = [128], sizes = [128], strides = [1]} : vector<4096xf32> to vector<128xf32>
    %broadcast_in_dim3A_60 = vector.shape_cast %slice3A_59 : vector<128xf32> to vector<1x128xf32>
    %broadcast_in_dim3A_61 = vector.shape_cast %broadcast_in_dim3A_60 : vector<1x128xf32> to vector<1x128xf32>
    %broadcast_in_dim3A_62 = vector.broadcast %broadcast_in_dim3A_61 : vector<1x128xf32> to vector<1024x128xf32>
    %select_n3A_63 = arith.select %lt3A_57, %broadcast_in_dim3A_62, %select_n3A_53 : vector<1024x128xi1>, vector<1024x128xf32>
    %slice3A_64 = vector.extract_strided_slice %concatenate3A_39 {offsets = [0, 256], sizes = [9, 128], strides = [1, 1]} : vector<9x4096xbf16> to vector<9x128xbf16>
    %dot_general3A_65 = arith.constant dense<0.000000e+00> : vector<1024x128xf32>
    %dot_general3A_66 = tpu.matmul %concatenate3A, %slice3A_64, %dot_general3A_65 {dimension_numbers = #tpu.dot_dimension_numbers<[0], [0], [1], [1], [0, 1, 1, 1], [], []>, transpose_lhs_hint = false} : vector<9x1024xbf16>, vector<9x128xbf16>, vector<1024x128xf32> -> vector<1024x128xf32>
    %lt3A_67 = arith.cmpf olt, %dot_general3A_66, %select_n3A_58 : vector<1024x128xf32>
    %select_n3A_68 = arith.select %lt3A_67, %dot_general3A_66, %select_n3A_58 : vector<1024x128xi1>, vector<1024x128xf32>
    %slice3A_69 = vector.extract_strided_slice %get3A_43 {offsets = [256], sizes = [128], strides = [1]} : vector<4096xf32> to vector<128xf32>
    %broadcast_in_dim3A_70 = vector.shape_cast %slice3A_69 : vector<128xf32> to vector<1x128xf32>
    %broadcast_in_dim3A_71 = vector.shape_cast %broadcast_in_dim3A_70 : vector<1x128xf32> to vector<1x128xf32>
    %broadcast_in_dim3A_72 = vector.broadcast %broadcast_in_dim3A_71 : vector<1x128xf32> to vector<1024x128xf32>
    %select_n3A_73 = arith.select %lt3A_67, %broadcast_in_dim3A_72, %select_n3A_63 : vector<1024x128xi1>, vector<1024x128xf32>
    %slice3A_74 = vector.extract_strided_slice %concatenate3A_39 {offsets = [0, 384], sizes = [9, 128], strides = [1, 1]} : vector<9x4096xbf16> to vector<9x128xbf16>
    %dot_general3A_75 = arith.constant dense<0.000000e+00> : vector<1024x128xf32>
    %dot_general3A_76 = tpu.matmul %concatenate3A, %slice3A_74, %dot_general3A_75 {dimension_numbers = #tpu.dot_dimension_numbers<[0], [0], [1], [1], [0, 1, 1, 1], [], []>, transpose_lhs_hint = false} : vector<9x1024xbf16>, vector<9x128xbf16>, vector<1024x128xf32> -> vector<1024x128xf32>
    %lt3A_77 = arith.cmpf olt, %dot_general3A_76, %select_n3A_68 : vector<1024x128xf32>
    %select_n3A_78 = arith.select %lt3A_77, %dot_general3A_76, %select_n3A_68 : vector<1024x128xi1>, vector<1024x128xf32>
    %slice3A_79 = vector.extract_strided_slice %get3A_43 {offsets = [384], sizes = [128], strides = [1]} : vector<4096xf32> to vector<128xf32>
    %broadcast_in_dim3A_80 = vector.shape_cast %slice3A_79 : vector<128xf32> to vector<1x128xf32>
    %broadcast_in_dim3A_81 = vector.shape_cast %broadcast_in_dim3A_80 : vector<1x128xf32> to vector<1x128xf32>
    %broadcast_in_dim3A_82 = vector.broadcast %broadcast_in_dim3A_81 : vector<1x128xf32> to vector<1024x128xf32>
    %select_n3A_83 = arith.select %lt3A_77, %broadcast_in_dim3A_82, %select_n3A_73 : vector<1024x128xi1>, vector<1024x128xf32>
    %slice3A_84 = vector.extract_strided_slice %concatenate3A_39 {offsets = [0, 512], sizes = [9, 128], strides = [1, 1]} : vector<9x4096xbf16> to vector<9x128xbf16>
    %dot_general3A_85 = arith.constant dense<0.000000e+00> : vector<1024x128xf32>
    %dot_general3A_86 = tpu.matmul %concatenate3A, %slice3A_84, %dot_general3A_85 {dimension_numbers = #tpu.dot_dimension_numbers<[0], [0], [1], [1], [0, 1, 1, 1], [], []>, transpose_lhs_hint = false} : vector<9x1024xbf16>, vector<9x128xbf16>, vector<1024x128xf32> -> vector<1024x128xf32>
    %lt3A_87 = arith.cmpf olt, %dot_general3A_86, %select_n3A_78 : vector<1024x128xf32>
    %select_n3A_88 = arith.select %lt3A_87, %dot_general3A_86, %select_n3A_78 : vector<1024x128xi1>, vector<1024x128xf32>
    %slice3A_89 = vector.extract_strided_slice %get3A_43 {offsets = [512], sizes = [128], strides = [1]} : vector<4096xf32> to vector<128xf32>
    %broadcast_in_dim3A_90 = vector.shape_cast %slice3A_89 : vector<128xf32> to vector<1x128xf32>
    %broadcast_in_dim3A_91 = vector.shape_cast %broadcast_in_dim3A_90 : vector<1x128xf32> to vector<1x128xf32>
    %broadcast_in_dim3A_92 = vector.broadcast %broadcast_in_dim3A_91 : vector<1x128xf32> to vector<1024x128xf32>
    %select_n3A_93 = arith.select %lt3A_87, %broadcast_in_dim3A_92, %select_n3A_83 : vector<1024x128xi1>, vector<1024x128xf32>
    %slice3A_94 = vector.extract_strided_slice %concatenate3A_39 {offsets = [0, 640], sizes = [9, 128], strides = [1, 1]} : vector<9x4096xbf16> to vector<9x128xbf16>
    %dot_general3A_95 = arith.constant dense<0.000000e+00> : vector<1024x128xf32>
    %dot_general3A_96 = tpu.matmul %concatenate3A, %slice3A_94, %dot_general3A_95 {dimension_numbers = #tpu.dot_dimension_numbers<[0], [0], [1], [1], [0, 1, 1, 1], [], []>, transpose_lhs_hint = false} : vector<9x1024xbf16>, vector<9x128xbf16>, vector<1024x128xf32> -> vector<1024x128xf32>
    %lt3A_97 = arith.cmpf olt, %dot_general3A_96, %select_n3A_88 : vector<1024x128xf32>
    %select_n3A_98 = arith.select %lt3A_97, %dot_general3A_96, %select_n3A_88 : vector<1024x128xi1>, vector<1024x128xf32>
    %slice3A_99 = vector.extract_strided_slice %get3A_43 {offsets = [640], sizes = [128], strides = [1]} : vector<4096xf32> to vector<128xf32>
    %broadcast_in_dim3A_100 = vector.shape_cast %slice3A_99 : vector<128xf32> to vector<1x128xf32>
    %broadcast_in_dim3A_101 = vector.shape_cast %broadcast_in_dim3A_100 : vector<1x128xf32> to vector<1x128xf32>
    %broadcast_in_dim3A_102 = vector.broadcast %broadcast_in_dim3A_101 : vector<1x128xf32> to vector<1024x128xf32>
    %select_n3A_103 = arith.select %lt3A_97, %broadcast_in_dim3A_102, %select_n3A_93 : vector<1024x128xi1>, vector<1024x128xf32>
    %slice3A_104 = vector.extract_strided_slice %concatenate3A_39 {offsets = [0, 768], sizes = [9, 128], strides = [1, 1]} : vector<9x4096xbf16> to vector<9x128xbf16>
    %dot_general3A_105 = arith.constant dense<0.000000e+00> : vector<1024x128xf32>
    %dot_general3A_106 = tpu.matmul %concatenate3A, %slice3A_104, %dot_general3A_105 {dimension_numbers = #tpu.dot_dimension_numbers<[0], [0], [1], [1], [0, 1, 1, 1], [], []>, transpose_lhs_hint = false} : vector<9x1024xbf16>, vector<9x128xbf16>, vector<1024x128xf32> -> vector<1024x128xf32>
    %lt3A_107 = arith.cmpf olt, %dot_general3A_106, %select_n3A_98 : vector<1024x128xf32>
    %select_n3A_108 = arith.select %lt3A_107, %dot_general3A_106, %select_n3A_98 : vector<1024x128xi1>, vector<1024x128xf32>
    %slice3A_109 = vector.extract_strided_slice %get3A_43 {offsets = [768], sizes = [128], strides = [1]} : vector<4096xf32> to vector<128xf32>
    %broadcast_in_dim3A_110 = vector.shape_cast %slice3A_109 : vector<128xf32> to vector<1x128xf32>
    %broadcast_in_dim3A_111 = vector.shape_cast %broadcast_in_dim3A_110 : vector<1x128xf32> to vector<1x128xf32>
    %broadcast_in_dim3A_112 = vector.broadcast %broadcast_in_dim3A_111 : vector<1x128xf32> to vector<1024x128xf32>
    %select_n3A_113 = arith.select %lt3A_107, %broadcast_in_dim3A_112, %select_n3A_103 : vector<1024x128xi1>, vector<1024x128xf32>
    %slice3A_114 = vector.extract_strided_slice %concatenate3A_39 {offsets = [0, 896], sizes = [9, 128], strides = [1, 1]} : vector<9x4096xbf16> to vector<9x128xbf16>
    %dot_general3A_115 = arith.constant dense<0.000000e+00> : vector<1024x128xf32>
    %dot_general3A_116 = tpu.matmul %concatenate3A, %slice3A_114, %dot_general3A_115 {dimension_numbers = #tpu.dot_dimension_numbers<[0], [0], [1], [1], [0, 1, 1, 1], [], []>, transpose_lhs_hint = false} : vector<9x1024xbf16>, vector<9x128xbf16>, vector<1024x128xf32> -> vector<1024x128xf32>
    %lt3A_117 = arith.cmpf olt, %dot_general3A_116, %select_n3A_108 : vector<1024x128xf32>
    %select_n3A_118 = arith.select %lt3A_117, %dot_general3A_116, %select_n3A_108 : vector<1024x128xi1>, vector<1024x128xf32>
    %slice3A_119 = vector.extract_strided_slice %get3A_43 {offsets = [896], sizes = [128], strides = [1]} : vector<4096xf32> to vector<128xf32>
    %broadcast_in_dim3A_120 = vector.shape_cast %slice3A_119 : vector<128xf32> to vector<1x128xf32>
    %broadcast_in_dim3A_121 = vector.shape_cast %broadcast_in_dim3A_120 : vector<1x128xf32> to vector<1x128xf32>
    %broadcast_in_dim3A_122 = vector.broadcast %broadcast_in_dim3A_121 : vector<1x128xf32> to vector<1024x128xf32>
    %select_n3A_123 = arith.select %lt3A_117, %broadcast_in_dim3A_122, %select_n3A_113 : vector<1024x128xi1>, vector<1024x128xf32>
    %slice3A_124 = vector.extract_strided_slice %concatenate3A_39 {offsets = [0, 1024], sizes = [9, 128], strides = [1, 1]} : vector<9x4096xbf16> to vector<9x128xbf16>
    %dot_general3A_125 = arith.constant dense<0.000000e+00> : vector<1024x128xf32>
    %dot_general3A_126 = tpu.matmul %concatenate3A, %slice3A_124, %dot_general3A_125 {dimension_numbers = #tpu.dot_dimension_numbers<[0], [0], [1], [1], [0, 1, 1, 1], [], []>, transpose_lhs_hint = false} : vector<9x1024xbf16>, vector<9x128xbf16>, vector<1024x128xf32> -> vector<1024x128xf32>
    %lt3A_127 = arith.cmpf olt, %dot_general3A_126, %select_n3A_118 : vector<1024x128xf32>
    %select_n3A_128 = arith.select %lt3A_127, %dot_general3A_126, %select_n3A_118 : vector<1024x128xi1>, vector<1024x128xf32>
    %slice3A_129 = vector.extract_strided_slice %get3A_43 {offsets = [1024], sizes = [128], strides = [1]} : vector<4096xf32> to vector<128xf32>
    %broadcast_in_dim3A_130 = vector.shape_cast %slice3A_129 : vector<128xf32> to vector<1x128xf32>
    %broadcast_in_dim3A_131 = vector.shape_cast %broadcast_in_dim3A_130 : vector<1x128xf32> to vector<1x128xf32>
    %broadcast_in_dim3A_132 = vector.broadcast %broadcast_in_dim3A_131 : vector<1x128xf32> to vector<1024x128xf32>
    %select_n3A_133 = arith.select %lt3A_127, %broadcast_in_dim3A_132, %select_n3A_123 : vector<1024x128xi1>, vector<1024x128xf32>
    %slice3A_134 = vector.extract_strided_slice %concatenate3A_39 {offsets = [0, 1152], sizes = [9, 128], strides = [1, 1]} : vector<9x4096xbf16> to vector<9x128xbf16>
    %dot_general3A_135 = arith.constant dense<0.000000e+00> : vector<1024x128xf32>
    %dot_general3A_136 = tpu.matmul %concatenate3A, %slice3A_134, %dot_general3A_135 {dimension_numbers = #tpu.dot_dimension_numbers<[0], [0], [1], [1], [0, 1, 1, 1], [], []>, transpose_lhs_hint = false} : vector<9x1024xbf16>, vector<9x128xbf16>, vector<1024x128xf32> -> vector<1024x128xf32>
    %lt3A_137 = arith.cmpf olt, %dot_general3A_136, %select_n3A_128 : vector<1024x128xf32>
    %select_n3A_138 = arith.select %lt3A_137, %dot_general3A_136, %select_n3A_128 : vector<1024x128xi1>, vector<1024x128xf32>
    %slice3A_139 = vector.extract_strided_slice %get3A_43 {offsets = [1152], sizes = [128], strides = [1]} : vector<4096xf32> to vector<128xf32>
    %broadcast_in_dim3A_140 = vector.shape_cast %slice3A_139 : vector<128xf32> to vector<1x128xf32>
    %broadcast_in_dim3A_141 = vector.shape_cast %broadcast_in_dim3A_140 : vector<1x128xf32> to vector<1x128xf32>
    %broadcast_in_dim3A_142 = vector.broadcast %broadcast_in_dim3A_141 : vector<1x128xf32> to vector<1024x128xf32>
    %select_n3A_143 = arith.select %lt3A_137, %broadcast_in_dim3A_142, %select_n3A_133 : vector<1024x128xi1>, vector<1024x128xf32>
    %slice3A_144 = vector.extract_strided_slice %concatenate3A_39 {offsets = [0, 1280], sizes = [9, 128], strides = [1, 1]} : vector<9x4096xbf16> to vector<9x128xbf16>
    %dot_general3A_145 = arith.constant dense<0.000000e+00> : vector<1024x128xf32>
    %dot_general3A_146 = tpu.matmul %concatenate3A, %slice3A_144, %dot_general3A_145 {dimension_numbers = #tpu.dot_dimension_numbers<[0], [0], [1], [1], [0, 1, 1, 1], [], []>, transpose_lhs_hint = false} : vector<9x1024xbf16>, vector<9x128xbf16>, vector<1024x128xf32> -> vector<1024x128xf32>
    %lt3A_147 = arith.cmpf olt, %dot_general3A_146, %select_n3A_138 : vector<1024x128xf32>
    %select_n3A_148 = arith.select %lt3A_147, %dot_general3A_146, %select_n3A_138 : vector<1024x128xi1>, vector<1024x128xf32>
    %slice3A_149 = vector.extract_strided_slice %get3A_43 {offsets = [1280], sizes = [128], strides = [1]} : vector<4096xf32> to vector<128xf32>
    %broadcast_in_dim3A_150 = vector.shape_cast %slice3A_149 : vector<128xf32> to vector<1x128xf32>
    %broadcast_in_dim3A_151 = vector.shape_cast %broadcast_in_dim3A_150 : vector<1x128xf32> to vector<1x128xf32>
    %broadcast_in_dim3A_152 = vector.broadcast %broadcast_in_dim3A_151 : vector<1x128xf32> to vector<1024x128xf32>
    %select_n3A_153 = arith.select %lt3A_147, %broadcast_in_dim3A_152, %select_n3A_143 : vector<1024x128xi1>, vector<1024x128xf32>
    %slice3A_154 = vector.extract_strided_slice %concatenate3A_39 {offsets = [0, 1408], sizes = [9, 128], strides = [1, 1]} : vector<9x4096xbf16> to vector<9x128xbf16>
    %dot_general3A_155 = arith.constant dense<0.000000e+00> : vector<1024x128xf32>
    %dot_general3A_156 = tpu.matmul %concatenate3A, %slice3A_154, %dot_general3A_155 {dimension_numbers = #tpu.dot_dimension_numbers<[0], [0], [1], [1], [0, 1, 1, 1], [], []>, transpose_lhs_hint = false} : vector<9x1024xbf16>, vector<9x128xbf16>, vector<1024x128xf32> -> vector<1024x128xf32>
    %lt3A_157 = arith.cmpf olt, %dot_general3A_156, %select_n3A_148 : vector<1024x128xf32>
    %select_n3A_158 = arith.select %lt3A_157, %dot_general3A_156, %select_n3A_148 : vector<1024x128xi1>, vector<1024x128xf32>
    %slice3A_159 = vector.extract_strided_slice %get3A_43 {offsets = [1408], sizes = [128], strides = [1]} : vector<4096xf32> to vector<128xf32>
    %broadcast_in_dim3A_160 = vector.shape_cast %slice3A_159 : vector<128xf32> to vector<1x128xf32>
    %broadcast_in_dim3A_161 = vector.shape_cast %broadcast_in_dim3A_160 : vector<1x128xf32> to vector<1x128xf32>
    %broadcast_in_dim3A_162 = vector.broadcast %broadcast_in_dim3A_161 : vector<1x128xf32> to vector<1024x128xf32>
    %select_n3A_163 = arith.select %lt3A_157, %broadcast_in_dim3A_162, %select_n3A_153 : vector<1024x128xi1>, vector<1024x128xf32>
    %slice3A_164 = vector.extract_strided_slice %concatenate3A_39 {offsets = [0, 1536], sizes = [9, 128], strides = [1, 1]} : vector<9x4096xbf16> to vector<9x128xbf16>
    %dot_general3A_165 = arith.constant dense<0.000000e+00> : vector<1024x128xf32>
    %dot_general3A_166 = tpu.matmul %concatenate3A, %slice3A_164, %dot_general3A_165 {dimension_numbers = #tpu.dot_dimension_numbers<[0], [0], [1], [1], [0, 1, 1, 1], [], []>, transpose_lhs_hint = false} : vector<9x1024xbf16>, vector<9x128xbf16>, vector<1024x128xf32> -> vector<1024x128xf32>
    %lt3A_167 = arith.cmpf olt, %dot_general3A_166, %select_n3A_158 : vector<1024x128xf32>
    %select_n3A_168 = arith.select %lt3A_167, %dot_general3A_166, %select_n3A_158 : vector<1024x128xi1>, vector<1024x128xf32>
    %slice3A_169 = vector.extract_strided_slice %get3A_43 {offsets = [1536], sizes = [128], strides = [1]} : vector<4096xf32> to vector<128xf32>
    %broadcast_in_dim3A_170 = vector.shape_cast %slice3A_169 : vector<128xf32> to vector<1x128xf32>
    %broadcast_in_dim3A_171 = vector.shape_cast %broadcast_in_dim3A_170 : vector<1x128xf32> to vector<1x128xf32>
    %broadcast_in_dim3A_172 = vector.broadcast %broadcast_in_dim3A_171 : vector<1x128xf32> to vector<1024x128xf32>
    %select_n3A_173 = arith.select %lt3A_167, %broadcast_in_dim3A_172, %select_n3A_163 : vector<1024x128xi1>, vector<1024x128xf32>
    %slice3A_174 = vector.extract_strided_slice %concatenate3A_39 {offsets = [0, 1664], sizes = [9, 128], strides = [1, 1]} : vector<9x4096xbf16> to vector<9x128xbf16>
    %dot_general3A_175 = arith.constant dense<0.000000e+00> : vector<1024x128xf32>
    %dot_general3A_176 = tpu.matmul %concatenate3A, %slice3A_174, %dot_general3A_175 {dimension_numbers = #tpu.dot_dimension_numbers<[0], [0], [1], [1], [0, 1, 1, 1], [], []>, transpose_lhs_hint = false} : vector<9x1024xbf16>, vector<9x128xbf16>, vector<1024x128xf32> -> vector<1024x128xf32>
    %lt3A_177 = arith.cmpf olt, %dot_general3A_176, %select_n3A_168 : vector<1024x128xf32>
    %select_n3A_178 = arith.select %lt3A_177, %dot_general3A_176, %select_n3A_168 : vector<1024x128xi1>, vector<1024x128xf32>
    %slice3A_179 = vector.extract_strided_slice %get3A_43 {offsets = [1664], sizes = [128], strides = [1]} : vector<4096xf32> to vector<128xf32>
    %broadcast_in_dim3A_180 = vector.shape_cast %slice3A_179 : vector<128xf32> to vector<1x128xf32>
    %broadcast_in_dim3A_181 = vector.shape_cast %broadcast_in_dim3A_180 : vector<1x128xf32> to vector<1x128xf32>
    %broadcast_in_dim3A_182 = vector.broadcast %broadcast_in_dim3A_181 : vector<1x128xf32> to vector<1024x128xf32>
    %select_n3A_183 = arith.select %lt3A_177, %broadcast_in_dim3A_182, %select_n3A_173 : vector<1024x128xi1>, vector<1024x128xf32>
    %slice3A_184 = vector.extract_strided_slice %concatenate3A_39 {offsets = [0, 1792], sizes = [9, 128], strides = [1, 1]} : vector<9x4096xbf16> to vector<9x128xbf16>
    %dot_general3A_185 = arith.constant dense<0.000000e+00> : vector<1024x128xf32>
    %dot_general3A_186 = tpu.matmul %concatenate3A, %slice3A_184, %dot_general3A_185 {dimension_numbers = #tpu.dot_dimension_numbers<[0], [0], [1], [1], [0, 1, 1, 1], [], []>, transpose_lhs_hint = false} : vector<9x1024xbf16>, vector<9x128xbf16>, vector<1024x128xf32> -> vector<1024x128xf32>
    %lt3A_187 = arith.cmpf olt, %dot_general3A_186, %select_n3A_178 : vector<1024x128xf32>
    %select_n3A_188 = arith.select %lt3A_187, %dot_general3A_186, %select_n3A_178 : vector<1024x128xi1>, vector<1024x128xf32>
    %slice3A_189 = vector.extract_strided_slice %get3A_43 {offsets = [1792], sizes = [128], strides = [1]} : vector<4096xf32> to vector<128xf32>
    %broadcast_in_dim3A_190 = vector.shape_cast %slice3A_189 : vector<128xf32> to vector<1x128xf32>
    %broadcast_in_dim3A_191 = vector.shape_cast %broadcast_in_dim3A_190 : vector<1x128xf32> to vector<1x128xf32>
    %broadcast_in_dim3A_192 = vector.broadcast %broadcast_in_dim3A_191 : vector<1x128xf32> to vector<1024x128xf32>
    %select_n3A_193 = arith.select %lt3A_187, %broadcast_in_dim3A_192, %select_n3A_183 : vector<1024x128xi1>, vector<1024x128xf32>
    %slice3A_194 = vector.extract_strided_slice %concatenate3A_39 {offsets = [0, 1920], sizes = [9, 128], strides = [1, 1]} : vector<9x4096xbf16> to vector<9x128xbf16>
    %dot_general3A_195 = arith.constant dense<0.000000e+00> : vector<1024x128xf32>
    %dot_general3A_196 = tpu.matmul %concatenate3A, %slice3A_194, %dot_general3A_195 {dimension_numbers = #tpu.dot_dimension_numbers<[0], [0], [1], [1], [0, 1, 1, 1], [], []>, transpose_lhs_hint = false} : vector<9x1024xbf16>, vector<9x128xbf16>, vector<1024x128xf32> -> vector<1024x128xf32>
    %lt3A_197 = arith.cmpf olt, %dot_general3A_196, %select_n3A_188 : vector<1024x128xf32>
    %select_n3A_198 = arith.select %lt3A_197, %dot_general3A_196, %select_n3A_188 : vector<1024x128xi1>, vector<1024x128xf32>
    %slice3A_199 = vector.extract_strided_slice %get3A_43 {offsets = [1920], sizes = [128], strides = [1]} : vector<4096xf32> to vector<128xf32>
    %broadcast_in_dim3A_200 = vector.shape_cast %slice3A_199 : vector<128xf32> to vector<1x128xf32>
    %broadcast_in_dim3A_201 = vector.shape_cast %broadcast_in_dim3A_200 : vector<1x128xf32> to vector<1x128xf32>
    %broadcast_in_dim3A_202 = vector.broadcast %broadcast_in_dim3A_201 : vector<1x128xf32> to vector<1024x128xf32>
    %select_n3A_203 = arith.select %lt3A_197, %broadcast_in_dim3A_202, %select_n3A_193 : vector<1024x128xi1>, vector<1024x128xf32>
    %slice3A_204 = vector.extract_strided_slice %concatenate3A_39 {offsets = [0, 2048], sizes = [9, 128], strides = [1, 1]} : vector<9x4096xbf16> to vector<9x128xbf16>
    %dot_general3A_205 = arith.constant dense<0.000000e+00> : vector<1024x128xf32>
    %dot_general3A_206 = tpu.matmul %concatenate3A, %slice3A_204, %dot_general3A_205 {dimension_numbers = #tpu.dot_dimension_numbers<[0], [0], [1], [1], [0, 1, 1, 1], [], []>, transpose_lhs_hint = false} : vector<9x1024xbf16>, vector<9x128xbf16>, vector<1024x128xf32> -> vector<1024x128xf32>
    %lt3A_207 = arith.cmpf olt, %dot_general3A_206, %select_n3A_198 : vector<1024x128xf32>
    %select_n3A_208 = arith.select %lt3A_207, %dot_general3A_206, %select_n3A_198 : vector<1024x128xi1>, vector<1024x128xf32>
    %slice3A_209 = vector.extract_strided_slice %get3A_43 {offsets = [2048], sizes = [128], strides = [1]} : vector<4096xf32> to vector<128xf32>
    %broadcast_in_dim3A_210 = vector.shape_cast %slice3A_209 : vector<128xf32> to vector<1x128xf32>
    %broadcast_in_dim3A_211 = vector.shape_cast %broadcast_in_dim3A_210 : vector<1x128xf32> to vector<1x128xf32>
    %broadcast_in_dim3A_212 = vector.broadcast %broadcast_in_dim3A_211 : vector<1x128xf32> to vector<1024x128xf32>
    %select_n3A_213 = arith.select %lt3A_207, %broadcast_in_dim3A_212, %select_n3A_203 : vector<1024x128xi1>, vector<1024x128xf32>
    %slice3A_214 = vector.extract_strided_slice %concatenate3A_39 {offsets = [0, 2176], sizes = [9, 128], strides = [1, 1]} : vector<9x4096xbf16> to vector<9x128xbf16>
    %dot_general3A_215 = arith.constant dense<0.000000e+00> : vector<1024x128xf32>
    %dot_general3A_216 = tpu.matmul %concatenate3A, %slice3A_214, %dot_general3A_215 {dimension_numbers = #tpu.dot_dimension_numbers<[0], [0], [1], [1], [0, 1, 1, 1], [], []>, transpose_lhs_hint = false} : vector<9x1024xbf16>, vector<9x128xbf16>, vector<1024x128xf32> -> vector<1024x128xf32>
    %lt3A_217 = arith.cmpf olt, %dot_general3A_216, %select_n3A_208 : vector<1024x128xf32>
    %select_n3A_218 = arith.select %lt3A_217, %dot_general3A_216, %select_n3A_208 : vector<1024x128xi1>, vector<1024x128xf32>
    %slice3A_219 = vector.extract_strided_slice %get3A_43 {offsets = [2176], sizes = [128], strides = [1]} : vector<4096xf32> to vector<128xf32>
    %broadcast_in_dim3A_220 = vector.shape_cast %slice3A_219 : vector<128xf32> to vector<1x128xf32>
    %broadcast_in_dim3A_221 = vector.shape_cast %broadcast_in_dim3A_220 : vector<1x128xf32> to vector<1x128xf32>
    %broadcast_in_dim3A_222 = vector.broadcast %broadcast_in_dim3A_221 : vector<1x128xf32> to vector<1024x128xf32>
    %select_n3A_223 = arith.select %lt3A_217, %broadcast_in_dim3A_222, %select_n3A_213 : vector<1024x128xi1>, vector<1024x128xf32>
    %slice3A_224 = vector.extract_strided_slice %concatenate3A_39 {offsets = [0, 2304], sizes = [9, 128], strides = [1, 1]} : vector<9x4096xbf16> to vector<9x128xbf16>
    %dot_general3A_225 = arith.constant dense<0.000000e+00> : vector<1024x128xf32>
    %dot_general3A_226 = tpu.matmul %concatenate3A, %slice3A_224, %dot_general3A_225 {dimension_numbers = #tpu.dot_dimension_numbers<[0], [0], [1], [1], [0, 1, 1, 1], [], []>, transpose_lhs_hint = false} : vector<9x1024xbf16>, vector<9x128xbf16>, vector<1024x128xf32> -> vector<1024x128xf32>
    %lt3A_227 = arith.cmpf olt, %dot_general3A_226, %select_n3A_218 : vector<1024x128xf32>
    %select_n3A_228 = arith.select %lt3A_227, %dot_general3A_226, %select_n3A_218 : vector<1024x128xi1>, vector<1024x128xf32>
    %slice3A_229 = vector.extract_strided_slice %get3A_43 {offsets = [2304], sizes = [128], strides = [1]} : vector<4096xf32> to vector<128xf32>
    %broadcast_in_dim3A_230 = vector.shape_cast %slice3A_229 : vector<128xf32> to vector<1x128xf32>
    %broadcast_in_dim3A_231 = vector.shape_cast %broadcast_in_dim3A_230 : vector<1x128xf32> to vector<1x128xf32>
    %broadcast_in_dim3A_232 = vector.broadcast %broadcast_in_dim3A_231 : vector<1x128xf32> to vector<1024x128xf32>
    %select_n3A_233 = arith.select %lt3A_227, %broadcast_in_dim3A_232, %select_n3A_223 : vector<1024x128xi1>, vector<1024x128xf32>
    %slice3A_234 = vector.extract_strided_slice %concatenate3A_39 {offsets = [0, 2432], sizes = [9, 128], strides = [1, 1]} : vector<9x4096xbf16> to vector<9x128xbf16>
    %dot_general3A_235 = arith.constant dense<0.000000e+00> : vector<1024x128xf32>
    %dot_general3A_236 = tpu.matmul %concatenate3A, %slice3A_234, %dot_general3A_235 {dimension_numbers = #tpu.dot_dimension_numbers<[0], [0], [1], [1], [0, 1, 1, 1], [], []>, transpose_lhs_hint = false} : vector<9x1024xbf16>, vector<9x128xbf16>, vector<1024x128xf32> -> vector<1024x128xf32>
    %lt3A_237 = arith.cmpf olt, %dot_general3A_236, %select_n3A_228 : vector<1024x128xf32>
    %select_n3A_238 = arith.select %lt3A_237, %dot_general3A_236, %select_n3A_228 : vector<1024x128xi1>, vector<1024x128xf32>
    %slice3A_239 = vector.extract_strided_slice %get3A_43 {offsets = [2432], sizes = [128], strides = [1]} : vector<4096xf32> to vector<128xf32>
    %broadcast_in_dim3A_240 = vector.shape_cast %slice3A_239 : vector<128xf32> to vector<1x128xf32>
    %broadcast_in_dim3A_241 = vector.shape_cast %broadcast_in_dim3A_240 : vector<1x128xf32> to vector<1x128xf32>
    %broadcast_in_dim3A_242 = vector.broadcast %broadcast_in_dim3A_241 : vector<1x128xf32> to vector<1024x128xf32>
    %select_n3A_243 = arith.select %lt3A_237, %broadcast_in_dim3A_242, %select_n3A_233 : vector<1024x128xi1>, vector<1024x128xf32>
    %slice3A_244 = vector.extract_strided_slice %concatenate3A_39 {offsets = [0, 2560], sizes = [9, 128], strides = [1, 1]} : vector<9x4096xbf16> to vector<9x128xbf16>
    %dot_general3A_245 = arith.constant dense<0.000000e+00> : vector<1024x128xf32>
    %dot_general3A_246 = tpu.matmul %concatenate3A, %slice3A_244, %dot_general3A_245 {dimension_numbers = #tpu.dot_dimension_numbers<[0], [0], [1], [1], [0, 1, 1, 1], [], []>, transpose_lhs_hint = false} : vector<9x1024xbf16>, vector<9x128xbf16>, vector<1024x128xf32> -> vector<1024x128xf32>
    %lt3A_247 = arith.cmpf olt, %dot_general3A_246, %select_n3A_238 : vector<1024x128xf32>
    %select_n3A_248 = arith.select %lt3A_247, %dot_general3A_246, %select_n3A_238 : vector<1024x128xi1>, vector<1024x128xf32>
    %slice3A_249 = vector.extract_strided_slice %get3A_43 {offsets = [2560], sizes = [128], strides = [1]} : vector<4096xf32> to vector<128xf32>
    %broadcast_in_dim3A_250 = vector.shape_cast %slice3A_249 : vector<128xf32> to vector<1x128xf32>
    %broadcast_in_dim3A_251 = vector.shape_cast %broadcast_in_dim3A_250 : vector<1x128xf32> to vector<1x128xf32>
    %broadcast_in_dim3A_252 = vector.broadcast %broadcast_in_dim3A_251 : vector<1x128xf32> to vector<1024x128xf32>
    %select_n3A_253 = arith.select %lt3A_247, %broadcast_in_dim3A_252, %select_n3A_243 : vector<1024x128xi1>, vector<1024x128xf32>
    %slice3A_254 = vector.extract_strided_slice %concatenate3A_39 {offsets = [0, 2688], sizes = [9, 128], strides = [1, 1]} : vector<9x4096xbf16> to vector<9x128xbf16>
    %dot_general3A_255 = arith.constant dense<0.000000e+00> : vector<1024x128xf32>
    %dot_general3A_256 = tpu.matmul %concatenate3A, %slice3A_254, %dot_general3A_255 {dimension_numbers = #tpu.dot_dimension_numbers<[0], [0], [1], [1], [0, 1, 1, 1], [], []>, transpose_lhs_hint = false} : vector<9x1024xbf16>, vector<9x128xbf16>, vector<1024x128xf32> -> vector<1024x128xf32>
    %lt3A_257 = arith.cmpf olt, %dot_general3A_256, %select_n3A_248 : vector<1024x128xf32>
    %select_n3A_258 = arith.select %lt3A_257, %dot_general3A_256, %select_n3A_248 : vector<1024x128xi1>, vector<1024x128xf32>
    %slice3A_259 = vector.extract_strided_slice %get3A_43 {offsets = [2688], sizes = [128], strides = [1]} : vector<4096xf32> to vector<128xf32>
    %broadcast_in_dim3A_260 = vector.shape_cast %slice3A_259 : vector<128xf32> to vector<1x128xf32>
    %broadcast_in_dim3A_261 = vector.shape_cast %broadcast_in_dim3A_260 : vector<1x128xf32> to vector<1x128xf32>
    %broadcast_in_dim3A_262 = vector.broadcast %broadcast_in_dim3A_261 : vector<1x128xf32> to vector<1024x128xf32>
    %select_n3A_263 = arith.select %lt3A_257, %broadcast_in_dim3A_262, %select_n3A_253 : vector<1024x128xi1>, vector<1024x128xf32>
    %slice3A_264 = vector.extract_strided_slice %concatenate3A_39 {offsets = [0, 2816], sizes = [9, 128], strides = [1, 1]} : vector<9x4096xbf16> to vector<9x128xbf16>
    %dot_general3A_265 = arith.constant dense<0.000000e+00> : vector<1024x128xf32>
    %dot_general3A_266 = tpu.matmul %concatenate3A, %slice3A_264, %dot_general3A_265 {dimension_numbers = #tpu.dot_dimension_numbers<[0], [0], [1], [1], [0, 1, 1, 1], [], []>, transpose_lhs_hint = false} : vector<9x1024xbf16>, vector<9x128xbf16>, vector<1024x128xf32> -> vector<1024x128xf32>
    %lt3A_267 = arith.cmpf olt, %dot_general3A_266, %select_n3A_258 : vector<1024x128xf32>
    %select_n3A_268 = arith.select %lt3A_267, %dot_general3A_266, %select_n3A_258 : vector<1024x128xi1>, vector<1024x128xf32>
    %slice3A_269 = vector.extract_strided_slice %get3A_43 {offsets = [2816], sizes = [128], strides = [1]} : vector<4096xf32> to vector<128xf32>
    %broadcast_in_dim3A_270 = vector.shape_cast %slice3A_269 : vector<128xf32> to vector<1x128xf32>
    %broadcast_in_dim3A_271 = vector.shape_cast %broadcast_in_dim3A_270 : vector<1x128xf32> to vector<1x128xf32>
    %broadcast_in_dim3A_272 = vector.broadcast %broadcast_in_dim3A_271 : vector<1x128xf32> to vector<1024x128xf32>
    %select_n3A_273 = arith.select %lt3A_267, %broadcast_in_dim3A_272, %select_n3A_263 : vector<1024x128xi1>, vector<1024x128xf32>
    %slice3A_274 = vector.extract_strided_slice %concatenate3A_39 {offsets = [0, 2944], sizes = [9, 128], strides = [1, 1]} : vector<9x4096xbf16> to vector<9x128xbf16>
    %dot_general3A_275 = arith.constant dense<0.000000e+00> : vector<1024x128xf32>
    %dot_general3A_276 = tpu.matmul %concatenate3A, %slice3A_274, %dot_general3A_275 {dimension_numbers = #tpu.dot_dimension_numbers<[0], [0], [1], [1], [0, 1, 1, 1], [], []>, transpose_lhs_hint = false} : vector<9x1024xbf16>, vector<9x128xbf16>, vector<1024x128xf32> -> vector<1024x128xf32>
    %lt3A_277 = arith.cmpf olt, %dot_general3A_276, %select_n3A_268 : vector<1024x128xf32>
    %select_n3A_278 = arith.select %lt3A_277, %dot_general3A_276, %select_n3A_268 : vector<1024x128xi1>, vector<1024x128xf32>
    %slice3A_279 = vector.extract_strided_slice %get3A_43 {offsets = [2944], sizes = [128], strides = [1]} : vector<4096xf32> to vector<128xf32>
    %broadcast_in_dim3A_280 = vector.shape_cast %slice3A_279 : vector<128xf32> to vector<1x128xf32>
    %broadcast_in_dim3A_281 = vector.shape_cast %broadcast_in_dim3A_280 : vector<1x128xf32> to vector<1x128xf32>
    %broadcast_in_dim3A_282 = vector.broadcast %broadcast_in_dim3A_281 : vector<1x128xf32> to vector<1024x128xf32>
    %select_n3A_283 = arith.select %lt3A_277, %broadcast_in_dim3A_282, %select_n3A_273 : vector<1024x128xi1>, vector<1024x128xf32>
    %slice3A_284 = vector.extract_strided_slice %concatenate3A_39 {offsets = [0, 3072], sizes = [9, 128], strides = [1, 1]} : vector<9x4096xbf16> to vector<9x128xbf16>
    %dot_general3A_285 = arith.constant dense<0.000000e+00> : vector<1024x128xf32>
    %dot_general3A_286 = tpu.matmul %concatenate3A, %slice3A_284, %dot_general3A_285 {dimension_numbers = #tpu.dot_dimension_numbers<[0], [0], [1], [1], [0, 1, 1, 1], [], []>, transpose_lhs_hint = false} : vector<9x1024xbf16>, vector<9x128xbf16>, vector<1024x128xf32> -> vector<1024x128xf32>
    %lt3A_287 = arith.cmpf olt, %dot_general3A_286, %select_n3A_278 : vector<1024x128xf32>
    %select_n3A_288 = arith.select %lt3A_287, %dot_general3A_286, %select_n3A_278 : vector<1024x128xi1>, vector<1024x128xf32>
    %slice3A_289 = vector.extract_strided_slice %get3A_43 {offsets = [3072], sizes = [128], strides = [1]} : vector<4096xf32> to vector<128xf32>
    %broadcast_in_dim3A_290 = vector.shape_cast %slice3A_289 : vector<128xf32> to vector<1x128xf32>
    %broadcast_in_dim3A_291 = vector.shape_cast %broadcast_in_dim3A_290 : vector<1x128xf32> to vector<1x128xf32>
    %broadcast_in_dim3A_292 = vector.broadcast %broadcast_in_dim3A_291 : vector<1x128xf32> to vector<1024x128xf32>
    %select_n3A_293 = arith.select %lt3A_287, %broadcast_in_dim3A_292, %select_n3A_283 : vector<1024x128xi1>, vector<1024x128xf32>
    %slice3A_294 = vector.extract_strided_slice %concatenate3A_39 {offsets = [0, 3200], sizes = [9, 128], strides = [1, 1]} : vector<9x4096xbf16> to vector<9x128xbf16>
    %dot_general3A_295 = arith.constant dense<0.000000e+00> : vector<1024x128xf32>
    %dot_general3A_296 = tpu.matmul %concatenate3A, %slice3A_294, %dot_general3A_295 {dimension_numbers = #tpu.dot_dimension_numbers<[0], [0], [1], [1], [0, 1, 1, 1], [], []>, transpose_lhs_hint = false} : vector<9x1024xbf16>, vector<9x128xbf16>, vector<1024x128xf32> -> vector<1024x128xf32>
    %lt3A_297 = arith.cmpf olt, %dot_general3A_296, %select_n3A_288 : vector<1024x128xf32>
    %select_n3A_298 = arith.select %lt3A_297, %dot_general3A_296, %select_n3A_288 : vector<1024x128xi1>, vector<1024x128xf32>
    %slice3A_299 = vector.extract_strided_slice %get3A_43 {offsets = [3200], sizes = [128], strides = [1]} : vector<4096xf32> to vector<128xf32>
    %broadcast_in_dim3A_300 = vector.shape_cast %slice3A_299 : vector<128xf32> to vector<1x128xf32>
    %broadcast_in_dim3A_301 = vector.shape_cast %broadcast_in_dim3A_300 : vector<1x128xf32> to vector<1x128xf32>
    %broadcast_in_dim3A_302 = vector.broadcast %broadcast_in_dim3A_301 : vector<1x128xf32> to vector<1024x128xf32>
    %select_n3A_303 = arith.select %lt3A_297, %broadcast_in_dim3A_302, %select_n3A_293 : vector<1024x128xi1>, vector<1024x128xf32>
    %slice3A_304 = vector.extract_strided_slice %concatenate3A_39 {offsets = [0, 3328], sizes = [9, 128], strides = [1, 1]} : vector<9x4096xbf16> to vector<9x128xbf16>
    %dot_general3A_305 = arith.constant dense<0.000000e+00> : vector<1024x128xf32>
    %dot_general3A_306 = tpu.matmul %concatenate3A, %slice3A_304, %dot_general3A_305 {dimension_numbers = #tpu.dot_dimension_numbers<[0], [0], [1], [1], [0, 1, 1, 1], [], []>, transpose_lhs_hint = false} : vector<9x1024xbf16>, vector<9x128xbf16>, vector<1024x128xf32> -> vector<1024x128xf32>
    %lt3A_307 = arith.cmpf olt, %dot_general3A_306, %select_n3A_298 : vector<1024x128xf32>
    %select_n3A_308 = arith.select %lt3A_307, %dot_general3A_306, %select_n3A_298 : vector<1024x128xi1>, vector<1024x128xf32>
    %slice3A_309 = vector.extract_strided_slice %get3A_43 {offsets = [3328], sizes = [128], strides = [1]} : vector<4096xf32> to vector<128xf32>
    %broadcast_in_dim3A_310 = vector.shape_cast %slice3A_309 : vector<128xf32> to vector<1x128xf32>
    %broadcast_in_dim3A_311 = vector.shape_cast %broadcast_in_dim3A_310 : vector<1x128xf32> to vector<1x128xf32>
    %broadcast_in_dim3A_312 = vector.broadcast %broadcast_in_dim3A_311 : vector<1x128xf32> to vector<1024x128xf32>
    %select_n3A_313 = arith.select %lt3A_307, %broadcast_in_dim3A_312, %select_n3A_303 : vector<1024x128xi1>, vector<1024x128xf32>
    %slice3A_314 = vector.extract_strided_slice %concatenate3A_39 {offsets = [0, 3456], sizes = [9, 128], strides = [1, 1]} : vector<9x4096xbf16> to vector<9x128xbf16>
    %dot_general3A_315 = arith.constant dense<0.000000e+00> : vector<1024x128xf32>
    %dot_general3A_316 = tpu.matmul %concatenate3A, %slice3A_314, %dot_general3A_315 {dimension_numbers = #tpu.dot_dimension_numbers<[0], [0], [1], [1], [0, 1, 1, 1], [], []>, transpose_lhs_hint = false} : vector<9x1024xbf16>, vector<9x128xbf16>, vector<1024x128xf32> -> vector<1024x128xf32>
    %lt3A_317 = arith.cmpf olt, %dot_general3A_316, %select_n3A_308 : vector<1024x128xf32>
    %select_n3A_318 = arith.select %lt3A_317, %dot_general3A_316, %select_n3A_308 : vector<1024x128xi1>, vector<1024x128xf32>
    %slice3A_319 = vector.extract_strided_slice %get3A_43 {offsets = [3456], sizes = [128], strides = [1]} : vector<4096xf32> to vector<128xf32>
    %broadcast_in_dim3A_320 = vector.shape_cast %slice3A_319 : vector<128xf32> to vector<1x128xf32>
    %broadcast_in_dim3A_321 = vector.shape_cast %broadcast_in_dim3A_320 : vector<1x128xf32> to vector<1x128xf32>
    %broadcast_in_dim3A_322 = vector.broadcast %broadcast_in_dim3A_321 : vector<1x128xf32> to vector<1024x128xf32>
    %select_n3A_323 = arith.select %lt3A_317, %broadcast_in_dim3A_322, %select_n3A_313 : vector<1024x128xi1>, vector<1024x128xf32>
    %slice3A_324 = vector.extract_strided_slice %concatenate3A_39 {offsets = [0, 3584], sizes = [9, 128], strides = [1, 1]} : vector<9x4096xbf16> to vector<9x128xbf16>
    %dot_general3A_325 = arith.constant dense<0.000000e+00> : vector<1024x128xf32>
    %dot_general3A_326 = tpu.matmul %concatenate3A, %slice3A_324, %dot_general3A_325 {dimension_numbers = #tpu.dot_dimension_numbers<[0], [0], [1], [1], [0, 1, 1, 1], [], []>, transpose_lhs_hint = false} : vector<9x1024xbf16>, vector<9x128xbf16>, vector<1024x128xf32> -> vector<1024x128xf32>
    %lt3A_327 = arith.cmpf olt, %dot_general3A_326, %select_n3A_318 : vector<1024x128xf32>
    %select_n3A_328 = arith.select %lt3A_327, %dot_general3A_326, %select_n3A_318 : vector<1024x128xi1>, vector<1024x128xf32>
    %slice3A_329 = vector.extract_strided_slice %get3A_43 {offsets = [3584], sizes = [128], strides = [1]} : vector<4096xf32> to vector<128xf32>
    %broadcast_in_dim3A_330 = vector.shape_cast %slice3A_329 : vector<128xf32> to vector<1x128xf32>
    %broadcast_in_dim3A_331 = vector.shape_cast %broadcast_in_dim3A_330 : vector<1x128xf32> to vector<1x128xf32>
    %broadcast_in_dim3A_332 = vector.broadcast %broadcast_in_dim3A_331 : vector<1x128xf32> to vector<1024x128xf32>
    %select_n3A_333 = arith.select %lt3A_327, %broadcast_in_dim3A_332, %select_n3A_323 : vector<1024x128xi1>, vector<1024x128xf32>
    %slice3A_334 = vector.extract_strided_slice %concatenate3A_39 {offsets = [0, 3712], sizes = [9, 128], strides = [1, 1]} : vector<9x4096xbf16> to vector<9x128xbf16>
    %dot_general3A_335 = arith.constant dense<0.000000e+00> : vector<1024x128xf32>
    %dot_general3A_336 = tpu.matmul %concatenate3A, %slice3A_334, %dot_general3A_335 {dimension_numbers = #tpu.dot_dimension_numbers<[0], [0], [1], [1], [0, 1, 1, 1], [], []>, transpose_lhs_hint = false} : vector<9x1024xbf16>, vector<9x128xbf16>, vector<1024x128xf32> -> vector<1024x128xf32>
    %lt3A_337 = arith.cmpf olt, %dot_general3A_336, %select_n3A_328 : vector<1024x128xf32>
    %select_n3A_338 = arith.select %lt3A_337, %dot_general3A_336, %select_n3A_328 : vector<1024x128xi1>, vector<1024x128xf32>
    %slice3A_339 = vector.extract_strided_slice %get3A_43 {offsets = [3712], sizes = [128], strides = [1]} : vector<4096xf32> to vector<128xf32>
    %broadcast_in_dim3A_340 = vector.shape_cast %slice3A_339 : vector<128xf32> to vector<1x128xf32>
    %broadcast_in_dim3A_341 = vector.shape_cast %broadcast_in_dim3A_340 : vector<1x128xf32> to vector<1x128xf32>
    %broadcast_in_dim3A_342 = vector.broadcast %broadcast_in_dim3A_341 : vector<1x128xf32> to vector<1024x128xf32>
    %select_n3A_343 = arith.select %lt3A_337, %broadcast_in_dim3A_342, %select_n3A_333 : vector<1024x128xi1>, vector<1024x128xf32>
    %slice3A_344 = vector.extract_strided_slice %concatenate3A_39 {offsets = [0, 3840], sizes = [9, 128], strides = [1, 1]} : vector<9x4096xbf16> to vector<9x128xbf16>
    %dot_general3A_345 = arith.constant dense<0.000000e+00> : vector<1024x128xf32>
    %dot_general3A_346 = tpu.matmul %concatenate3A, %slice3A_344, %dot_general3A_345 {dimension_numbers = #tpu.dot_dimension_numbers<[0], [0], [1], [1], [0, 1, 1, 1], [], []>, transpose_lhs_hint = false} : vector<9x1024xbf16>, vector<9x128xbf16>, vector<1024x128xf32> -> vector<1024x128xf32>
    %lt3A_347 = arith.cmpf olt, %dot_general3A_346, %select_n3A_338 : vector<1024x128xf32>
    %select_n3A_348 = arith.select %lt3A_347, %dot_general3A_346, %select_n3A_338 : vector<1024x128xi1>, vector<1024x128xf32>
    %slice3A_349 = vector.extract_strided_slice %get3A_43 {offsets = [3840], sizes = [128], strides = [1]} : vector<4096xf32> to vector<128xf32>
    %broadcast_in_dim3A_350 = vector.shape_cast %slice3A_349 : vector<128xf32> to vector<1x128xf32>
    %broadcast_in_dim3A_351 = vector.shape_cast %broadcast_in_dim3A_350 : vector<1x128xf32> to vector<1x128xf32>
    %broadcast_in_dim3A_352 = vector.broadcast %broadcast_in_dim3A_351 : vector<1x128xf32> to vector<1024x128xf32>
    %select_n3A_353 = arith.select %lt3A_347, %broadcast_in_dim3A_352, %select_n3A_343 : vector<1024x128xi1>, vector<1024x128xf32>
    %slice3A_354 = vector.extract_strided_slice %concatenate3A_39 {offsets = [0, 3968], sizes = [9, 128], strides = [1, 1]} : vector<9x4096xbf16> to vector<9x128xbf16>
    %dot_general3A_355 = arith.constant dense<0.000000e+00> : vector<1024x128xf32>
    %dot_general3A_356 = tpu.matmul %concatenate3A, %slice3A_354, %dot_general3A_355 {dimension_numbers = #tpu.dot_dimension_numbers<[0], [0], [1], [1], [0, 1, 1, 1], [], []>, transpose_lhs_hint = false} : vector<9x1024xbf16>, vector<9x128xbf16>, vector<1024x128xf32> -> vector<1024x128xf32>
    %lt3A_357 = arith.cmpf olt, %dot_general3A_356, %select_n3A_348 : vector<1024x128xf32>
    %select_n3A_358 = arith.select %lt3A_357, %dot_general3A_356, %select_n3A_348 : vector<1024x128xi1>, vector<1024x128xf32>
    %slice3A_359 = vector.extract_strided_slice %get3A_43 {offsets = [3968], sizes = [128], strides = [1]} : vector<4096xf32> to vector<128xf32>
    %broadcast_in_dim3A_360 = vector.shape_cast %slice3A_359 : vector<128xf32> to vector<1x128xf32>
    %broadcast_in_dim3A_361 = vector.shape_cast %broadcast_in_dim3A_360 : vector<1x128xf32> to vector<1x128xf32>
    %broadcast_in_dim3A_362 = vector.broadcast %broadcast_in_dim3A_361 : vector<1x128xf32> to vector<1024x128xf32>
    %select_n3A_363 = arith.select %lt3A_357, %broadcast_in_dim3A_362, %select_n3A_353 : vector<1024x128xi1>, vector<1024x128xf32>
    %reduce_min3A = arith.constant dense<0x7F800000> : vector<1024xf32>
    %reduce_min3A_364 = vector.multi_reduction <minimumf>, %select_n3A_358, %reduce_min3A [1] : vector<1024x128xf32> to vector<1024xf32>
    %broadcast_in_dim3A_365 = vector.shape_cast %reduce_min3A_364 : vector<1024xf32> to vector<1024x1xf32>
    %eq3A = vector.broadcast %broadcast_in_dim3A_365 : vector<1024x1xf32> to vector<1024x128xf32>
    %eq3A_366 = arith.cmpf oeq, %select_n3A_358, %eq3A : vector<1024x128xf32>
    %jit3A = arith.constant 4.096000e+03 : f32
    %broadcast_in_dim3A_367 = vector.broadcast %jit3A : f32 to vector<1024x128xf32>
    %select_n3A_368 = arith.select %eq3A_366, %select_n3A_363, %broadcast_in_dim3A_367 : vector<1024x128xi1>, vector<1024x128xf32>
    %reduce_min3A_369 = arith.constant dense<0x7F800000> : vector<1024xf32>
    %reduce_min3A_370 = vector.multi_reduction <minimumf>, %select_n3A_368, %reduce_min3A_369 [1] : vector<1024x128xf32> to vector<1024xf32>
    %convert_element_type3A_371 = arith.fptosi %reduce_min3A_370 : vector<1024xf32> to vector<1024xi32>
    %swap3A = arith.constant 0 : index
    %swap3A_372 = vector.load %arg5[%swap3A] : memref<1024xi32, #tpu.memory_space<vmem>>, vector<1024xi32>
    tpu.vector_store %arg5[%swap3A], %convert_element_type3A_371 {strides = array<i32>} : memref<1024xi32, #tpu.memory_space<vmem>>, vector<1024xi32>,
    return
  }
  func.func @transform_0(%arg0: i32, %arg1: i32) -> (i32, i32, i32) {
    %c0_i32 = arith.constant 0 : i32
    %c0_i32_0 = arith.constant 0 : i32
    return %arg0, %c0_i32, %arg1 : i32, i32, i32
  }
  func.func @transform_1(%arg0: i32, %arg1: i32) -> (i32, i32, i32) {
    %c0_i32 = arith.constant 0 : i32
    %c0_i32_0 = arith.constant 0 : i32
    %c0_i32_1 = arith.constant 0 : i32
    return %arg0, %c0_i32, %c0_i32_0 : i32, i32, i32
  }
  func.func @transform_2(%arg0: i32, %arg1: i32) -> (i32, i32) {
    %c0_i32 = arith.constant 0 : i32
    %c0_i32_0 = arith.constant 0 : i32
    %c0_i32_1 = arith.constant 0 : i32
    return %c0_i32, %c0_i32_0 : i32, i32
  }
  func.func @transform_3(%arg0: i32, %arg1: i32) -> i32 {
    %mul3A = arith.constant 4 : i32
    %mul3A_0 = arith.muli %arg0, %mul3A : i32
    %add3A = arith.addi %mul3A_0, %arg1 : i32
    %c0_i32 = arith.constant 0 : i32
    return %add3A : i32
  }
}

</mosaic_0001>

<sc_bundles>
// kernel: kernel.4.cloned.1.call-start
scs
__scs_entry_jumppad:
0x0: {  	(pc) =	sbr.rel $0x88, $3  }
0x1: {  	(tag) =	ssettag $0x0;
	lr =	simm.s32 $0x1  }
0x2: {  	[smem:$0x3F9F] =	sst lr;
	_ =	strace $0xD0000000  }
0x3: {  	_ = 	snop  }
0x4: {  	_ = 	snop  }
0x5: {  	_ = 	snop  }
0x6: {  	_ = 	snop  }
0x7: {  	_ = 	snop  }
__scs_overlays_trampoline_lowered:
0x8: {  	[smem:$0x3FAE] =	sst s0  }
0x9: {  	[smem:$0x3FAF] =	sst s1  }
0xa: {  	[smem:$0x3FB0] =	sst s2  }
0xb: {  	[smem:$0x3FB1] =	sst s3  }
0xc: {  	[smem:$0x3FB2] =	sst s4  }
0xd: {  	[smem:$0x3FB3] =	sst s5  }
0xe: {  	[smem:$0x3FB4] =	sst s6  }
0xf: {  	[smem:$0x3FB5] =	sst s7  }
0x10: {  	[smem:$0x3FB6] =	sst s8  }
0x11: {  	[smem:$0x3FB7] =	sst s9;
	s0 =	simm.s32 @!p0 $0x0  }
0x12: {  	s1 =	sld [smem:$0x3F9D];
	s0 =	simm.s32 @p0 $0x1  }
0x13: {  	[smem:$0x3FB8] =	sst s0;
	s0 =	simm.s32 @!p1 $0x0  }
0x14: {  	s2 =	sld [smem:$0x3F9C];
	s0 =	simm.s32 @p1 $0x1  }
0x15: {  	[smem:$0x3FB9] =	sst s0;
	s0 =	simm.s32 @!p2 $0x0  }
0x16: {  	s3 =	sld [smem:$0x3FDB];
	s0 =	simm.s32 @p2 $0x1  }
0x17: {  	s4 =	simm.s32 $0x1BF5;
	[smem:$0x3FBB] =	sst s0  }
0x18: {  	s0 =	sld [smem:$0x3F9E];
	_ =	swait.ge [sflag:s4], $0x0  }
0x19: {  	s7 =	sld [smem:$0x3F9F]  }
0x1a: {  	s8 =	sadd.s32 $0xFFFFE003, lr  }
0x1b: {  	s9 =	sadd.s32 $0xFFFFFEF7, lr;
	s5 =	simm.s32 $0xFFFFFFFF;
	p2 =	slt.u32 s8, $0xFFFFF086  }
0x1c: {  	p1 =	slt.u32 s9, $0xF7A;
	s5 =	simm.s32 @!p2 $0x0  }
0x1d: {  	s5 =	simm.s32 @p1 $0x1;
	p0 =	seq.s32 s7, s2  }
0x1e: {  	s7 =	smul.u32 @!p0 $0xF7A, s2;
	p2 =	seq.s32 @!p0 s5, $0x0  }
0x1f: {  	s9 =	smul.u32 $0xF7A, s1;
	s8 =	simm.s32 @!p0 $0x1BF5;
	p2 =	por !p2, p0  }
0x20: {  	[sflag:s8] =	ssyncset.s32 @!p0 $0xFFFFF086;
	s6 =	sadd.s32 @!p0 s3, s7;
	s7 =	simm.s32 @!p0 $0x108  }
0x21: {  	s3 =	sadd.s32 s3, s9;
	s6 =	sadd.s32 @!p0 $0x88, s6;
	s7 =	simm.s32 @p2 $0x1082  }
0x22: {  	[simem:s7], [sflag:s8] =	dma.local @!p0 [hbm:s6], $0xF7A  }
0x23: {  	s9 =	sor.u32 $0xD0000000, s2;
	s6 =	simm.s32 $0x108;
	_ =	swait.ge @!p0 [sflag:s8], $0x0  }
0x24: {  	s3 =	sadd.s32 $0x88, s3;
	s6 =	simm.s32 @!p1 $0x1082;
	[sflag:s4] =	ssyncset.s32 $0xFFFFF086  }
0x25: {  	[simem:s6], [sflag:s4] =	dma.local [hbm:s3], $0xF7A  }
0x26: {  	[smem:$0x3F9F] =	sst s1;
	(tag) =	ssettag s2;
	_ =	strace s9  }
0x27: {  	s1 =	sld [smem:$0x3FAF]  }
0x28: {  	s2 =	sld [smem:$0x3FB0]  }
0x29: {  	s4 =	sld [smem:$0x3FB2]  }
0x2a: {  	p0 =	seq.s32 s5, $0x0;
	s5 =	sld [smem:$0x3FB3]  }
0x2b: {  	s6 =	sld [smem:$0x3FB4]  }
0x2c: {  	s7 =	sld [smem:$0x3FB5]  }
0x2d: {  	s3 =	simm.s32 $0x108;
	s8 =	sld [smem:$0x3FB6]  }
0x2e: {  	s3 =	simm.s32 @!p0 $0x1082;
	s9 =	sld [smem:$0x3FB7]  }
0x2f: {  	lr =	sadd.s32 s0, s3;
	s0 =	sld [smem:$0x3FAE]  }
0x30: {  	s3 =	sld [smem:$0x3FB1]  }
0x31: {  	[smem:$0x3FBA] =	sst s10  }
0x32: {  	s10 =	sld [smem:$0x3FB8];
	_ =	sdelay $0x3  }
0x33: {  	p0 =	seq.s32 s10, $0x1;
	s10 =	sld [smem:$0x3FBA];
	_ =	sdelay $0x3  }
0x34: {  	[smem:$0x3FBA] =	sst s10  }
0x35: {  	s10 =	sld [smem:$0x3FB9];
	_ =	sdelay $0x3  }
0x36: {  	p1 =	seq.s32 s10, $0x1;
	s10 =	sld [smem:$0x3FBA];
	_ =	sdelay $0x3  }
0x37: {  	[smem:$0x3FBA] =	sst s10  }
0x38: {  	s10 =	sld [smem:$0x3FBB]  }
0x39: {  	_ = 	snop;
	(pc) =	sbr.ind lr, $3  }
0x3a: {  	_ = 	snop  }
0x3b: {  	_ = 	snop  }
0x3c: {  	p2 =	seq.s32 s10, $0x1;
	s10 =	sld [smem:$0x3FBA]  }
0x3d: {  	_ =	shalt  }
0x3e: {  	_ =	shalt  }
0x3f: {  	_ =	shalt  }
0x40: {  	_ =	shalt  }
0x41: {  	_ =	shalt  }
0x42: {  	_ =	shalt  }
0x43: {  	_ =	shalt  }
0x44: {  	_ =	shalt  }
0x45: {  	_ =	shalt  }
0x46: {  	_ =	shalt  }
0x47: {  	_ =	shalt  }
0x48: {  	_ =	shalt  }
0x49: {  	_ =	shalt  }
0x4a: {  	_ =	shalt  }
0x4b: {  	_ =	shalt  }
0x4c: {  	_ =	shalt  }
0x4d: {  	_ =	shalt  }
0x4e: {  	_ =	shalt  }
0x4f: {  	_ =	shalt  }
0x50: {  	_ =	shalt  }
0x51: {  	_ =	shalt  }
0x52: {  	_ =	shalt  }
0x53: {  	_ =	shalt  }
0x54: {  	_ =	shalt  }
0x55: {  	_ =	shalt  }
0x56: {  	_ =	shalt  }
0x57: {  	_ =	shalt  }
0x58: {  	_ =	shalt  }
0x59: {  	_ =	shalt  }
0x5a: {  	_ =	shalt  }
0x5b: {  	_ =	shalt  }
0x5c: {  	_ =	shalt  }
0x5d: {  	_ =	shalt  }
0x5e: {  	_ =	shalt  }
0x5f: {  	_ =	shalt  }
0x60: {  	_ =	shalt  }
0x61: {  	_ =	shalt  }
0x62: {  	_ =	shalt  }
0x63: {  	_ =	shalt  }
0x64: {  	_ =	shalt  }
0x65: {  	_ =	shalt  }
0x66: {  	_ =	shalt  }
0x67: {  	_ =	shalt  }
0x68: {  	_ =	shalt  }
0x69: {  	_ =	shalt  }
0x6a: {  	_ =	shalt  }
0x6b: {  	_ =	shalt  }
0x6c: {  	_ =	shalt  }
0x6d: {  	_ =	shalt  }
0x6e: {  	_ =	shalt  }
0x6f: {  	_ =	shalt  }
0x70: {  	_ =	shalt  }
0x71: {  	_ =	shalt  }
0x72: {  	_ =	shalt  }
0x73: {  	_ =	shalt  }
0x74: {  	_ =	shalt  }
0x75: {  	_ =	shalt  }
0x76: {  	_ =	shalt  }
0x77: {  	_ =	shalt  }
0x78: {  	_ =	shalt  }
0x79: {  	_ =	shalt  }
0x7a: {  	_ =	shalt  }
0x7b: {  	_ =	shalt  }
0x7c: {  	_ =	shalt  }
0x7d: {  	_ =	shalt  }
0x7e: {  	_ =	shalt  }
0x7f: {  	_ =	shalt  }
0x80: {  	_ =	shalt  }
0x81: {  	_ =	shalt  }
0x82: {  	_ =	shalt  }
0x83: {  	_ =	shalt  }
0x84: {  	_ =	shalt  }
0x85: {  	_ =	shalt  }
0x86: {  	_ =	shalt  }
0x87: {  	_ =	shalt  }
.Lfunc_end0:
.L_simem_size_0:
called_computation_lowered:
.L_overlay_start_0:
0x88: {  	s2 =	sld [smem:$0x3FD9]  }
0x89: {  	s3 =	sld [smem:$0x3FFE];
	_ =	sdelay $0x1  }
0x8a: {  	s1 =	srdreg.scid  }
0x8b: {  	s0 =	sand.u32 $0x1, s1  }
0x8c: {  	s16 =	sshll.u32 s0, $0xA;
	s2 =	sadd.s32 s3, s2  }
0x8d: {  	s2 =	sadd.s32 s2, s16  }
0x8e: {  	[smem:$0x3FC6] =	sst s2  }
0x8f: {  	_ = 	snop  }
0x90: {  	(tm) =	ssettm $0x1  }
0x91: {  	s17 =	sld [smem:$0x3FFB];
	_ =	sdelay $0x3  }
0x92: {  	_ =	strace s17  }
0x93: {  	s2 =	sld [smem:$0x3FFC];
	_ =	sdelay $0x3  }
0x94: {  	_ =	strace s2  }
0x95: {  	s2 =	sld [smem:$0x3FFD];
	_ =	sdelay $0x3  }
0x96: {  	_ =	strace s2  }
0x97: {  	_ =	strace $0x8FFFFFFF  }
0x98: {  	s18 =	sld [smem:$0x3FDB];
	_ =	sdelay $0x1  }
0x99: {  	s19 =	simm.s32 $_scs_section_size  }
0x9a: {  	s4 =	simm.s32 $_size__tile_overlayer_lowered;
	s5 =	simm.s32 $_tile_overlayer_lowered  }
0x9b: {  	s22 =	simm.s32 $0x1BFF;
	s21 =	sshll.u32 s5, $0x1;
	s2 =	sadd.s32 s19, s18  }
0x9c: {  	s6 =	simm.s32 $0x0;
	s20 =	sshll.u32 s4, $0x1;
	s4 =	sadd.s32 s21, s2  }
0x9d: {  	[timem:s6], [sflag:s22] =	dma.local [hbm:s4], s20  }
0x9e: {  	_ =	swait.ge [sflag:s22], s20  }
0x9f: {  	s3 =	ssub.s32 $0x0, s20;
	[sflag:s22] =	ssyncset.done $0x0  }
0xa0: {  	[sflag:s22] =	ssyncadd.s32 s3;
	_ =	sdelay $0x1  }
0xa1: {  	s23 =	simm.s32 $0x1B8B  }
0xa2: {  	_ =	swait.ge [sflag:s23], $0x1  }
0xa3: {  	[sflag:s23] =	ssyncset.done $0x0  }
0xa4: {  	s25 =	simm.s32 $0x1B8E;
	s24 =	sld [smem:$0x3FFE];
	[sflag:s23] =	ssyncadd.s32 $0xFFFFFFFF  }
0xa5: {  	s26 =	simm.s32 $execute0_lowered;
	[smem:$0x3FD2] =	sst s25  }
0xa6: {  	s4 =	sshll.u32 s26, $0x1;
	_ =	strace $0x80000046;
	[dreg:$0x1] =	wrdreg $0xFFFFFFFF  }
0xa7: {  	s28 =	simm.s32 $_size_execute0_lowered;
	s2 =	sadd.s32 s2, s4;
	[dreg:$0x0] =	wrdreg $0x0  }
0xa8: {  	s4 =	sshll.u32 s28, $0x1;
	[dreg:$0x2] =	wrdreg s2  }
0xa9: {  	[dreg:$0x3] =	wrdreg s4  }
0xaa: {  	[dreg:$0x4] =	wrdreg $0xC0  }
0xab: {  	_ =	task [dreg:s6], $0x5FFFF  }
0xac: {  	[dreg:$0x1] =	wrdreg $0xFFFFFFFF  }
0xad: {  	[dreg:$0x0] =	wrdreg $0x60  }
0xae: {  	[dreg:$0x2] =	wrdreg s24  }
0xaf: {  	[dreg:$0x3] =	wrdreg $0x9  }
0xb0: {  	_ =	task.clear_ibuf [dreg:s6], $0x4FFFF;
	_ =	strace $0x90000046  }
0xb1: {  	s29 =	simm.s32 $0x9;
	_ =	strace $0x80000048  }
0xb2: {  	_ =	swait.ge [sflag:s29], $0x1  }
0xb3: {  	[sflag:s29] =	ssyncadd.s32 $0xFFFFFFFF  }
0xb4: {  	_ =	strace $0x90000048  }
0xb5: {  	_ =	sfence  }
0xb6: {  	s30 =	sld [smem:$0x0];
	_ =	sdelay $0x2  }
0xb7: {  	s31 =	sshll.u32 s1, $0xD;
	s1 =	sshrl.u32 s1, $0x2  }
0xb8: {  	s3 =	sand.u32 $0x4000, s31;
	s1 =	sadd.s32 s1, s30  }
0xb9: {  	s0 =	sor.u32 s3, s0;
	s1 =	sshll.u32 s1, $0x11  }
0xba: {  	s0 =	sor.u32 s1, s0  }
0xbb: {  	s0 =	sadd.s32 $0x8F2B, s0  }
0xbc: {  	[sflag:s0] =	ssyncadd.remote.s32 $0x1  }
0xbd: {  	_ =	sfence.sel $0xFFFF  }
0xbe: {  	[dreg:$0x0] =	wrdreg $0xFFFFFFFF;
	(pc) =	sbr.abs _section_cstart, $3  }
0xbf: {  	[dreg:$0x1] =	wrdreg $0xFFFFFFFF  }
0xc0: {  	_ =	task.clear_ibuf [dreg:s6], $0x2FFFF;
	_ =	strace $0x9FFFFFFF  }
0xc1: {  	(tm) =	ssettm $0x7FFFFFFF  }
tec
execute0_lowered:
.L_overlay_start_1:
0x0: {  	(tag) =	ssettag $0x1  }
0x1: {  	s1 =	srdreg.scid  }
0x2: {  	s0 =	stileid.u32;
	s3 =	rddreg [dreg:$0x0]  }
0x3: {  	s12 =	simm.s32 $0x80;
	s13 =	simm.s32 $0x200;
	s14 =	simm.s32 $0x3000  }
0x4: {  	s15 =	simm.s32 $0x1000;
	s16 =	simm.s32 $0x3200;
	s17 =	simm.s32 $0x2000  }
0x5: {  	s18 =	simm.s32 $0x3400;
	s19 =	simm.s32 $0x1;
	s20 =	simm.s32 $0x2  }
0x6: {  	s21 =	simm.s32 $0x3;
	s22 =	simm.s32 $0x4;
	s23 =	simm.s32 $0x5  }
0x7: {  	s24 =	simm.s32 $0x6;
	s25 =	simm.s32 $0x7;
	s26 =	simm.s32 $0x3800  }
0x8: {  	s28 =	simm.s32 $0x8;
	s1 =	sand.u32 $0x1, s1;
	s2 =	sshll.u32 s0, $0x1  }
0x9: {  	s29 =	simm.s32 $0x0;
	s5 =	sshrl.u32 s0, $0x2;
	s4 =	sor.u32 s1, s2  }
0xa: {  	s2 =	simm.s32 $0x0;
	s7 =	sshll.u32 s5, $0xB;
	s5 =	sshll.u32 s5, $0x9  }
0xb: {  	s1 =	ssub.s32 $0x2, s1;
	s6 =	sand.u32 $0x7, s4;
	[smem:$0x7FF] =	sst s2  }
0xc: {  	s9 =	sadd.s32 s5, s3;
	s4 =	sshll.u32 s4, $0x1;
	s31 =	sshrl.u32 s1, $0x1  }
0xd: {  	s8 =	sshll.u32 s6, $0x8;
	_ =	strace $0x80000047;
	s10 =	sadd.s32 s4, s3  }
0xe: {  	s1 =	ssub.s32 s1, s31;
	s11 =	sshll.u32 s6, $0x6;
	s8 =	sor.u32 s7, s8  }
0xf: {  	s7 =	sadd.s32 s7, s3;
	s9 =	sadd.s32 s11, s9;
	s10 =	sadd.s32 $0x5000, s10  }
0x10: {  	s11 =	smax.u32 s1, $0x1;
	s8 =	sadd.s32 s8, s3;
	s3 =	sadd.s32 $0x2800, s7  }
0x11: {  	s5 =	sadd.s32 $0x2810, s7;
	s7 =	sadd.s32 $0x2820, s7;
	s9 =	sadd.s32 $0x4800, s9  }
0x12: {  	v0 =	vlaneseq.u32;
	s4 =	sadd.s32 $0x800, s8;
	s6 =	sadd.s32 $0x810, s8;
	s8 =	sadd.s32 $0x820, s8  }
.LBB2_1:
0x13: {  	[tilespmem:s2], [sflag:$0x1] =	stream.strided.gather [hbm4b:s3+s12], $0x1000, s13, s12, $0x38;
	[tilespmem:$0x3880] =	vst v63  }
0x14: {  	_ = 	snop  }
0x15: {  	[tilespmem:s14], [sflag:$0x2] =	stream.strided.gather [hbm4b:s4+s12], $0x200, s13, s12, $0x38;
	[tilespmem:$0x3880] =	vst v63  }
0x16: {  	_ = 	snop  }
0x17: {  	[tilespmem:s15], [sflag:$0x3] =	stream.strided.gather [hbm4b:s5+s12], $0x1000, s13, s12, $0x38;
	[tilespmem:$0x3880] =	vst v63  }
0x18: {  	_ = 	snop  }
0x19: {  	[tilespmem:s16], [sflag:$0x4] =	stream.strided.gather [hbm4b:s6+s12], $0x200, s13, s12, $0x38;
	[tilespmem:$0x3880] =	vst v63  }
0x1a: {  	_ = 	snop  }
0x1b: {  	[tilespmem:s17], [sflag:$0x5] =	stream.strided.gather [hbm4b:s7+s12], $0x1000, s13, s12, $0x38;
	[tilespmem:$0x3880] =	vst v63  }
0x1c: {  	_ = 	snop  }
0x1d: {  	[tilespmem:s18], [sflag:$0x6] =	stream.strided.gather [hbm4b:s8+s12], $0x200, s13, s12, $0x38;
	[tilespmem:$0x3880] =	vst v63  }
0x1e: {  	s1 =	simm.s32 $0x3600  }
0x1f: {  	[tilespmem:s1], [sflag:$0x7] =	stream.linear.gather [hbm4b:s9+s2], $0x200, $0x38;
	[tilespmem:$0x3880] =	vst v63  }
0x20: {  	_ =	swait.ge [sflag:s19], $0x1000  }
0x21: {  	[sflag:s19] =	ssyncset.done $0x0  }
0x22: {  	[sflag:s19] =	ssyncadd.s32 $0xFFFFF000  }
0x23: {  	_ =	swait.ge [sflag:s20], $0x200  }
0x24: {  	[sflag:s20] =	ssyncset.done $0x0  }
0x25: {  	[sflag:s20] =	ssyncadd.s32 $0xFFFFFE00  }
0x26: {  	_ =	swait.ge [sflag:s21], $0x1000  }
0x27: {  	[sflag:s21] =	ssyncset.done $0x0  }
0x28: {  	[sflag:s21] =	ssyncadd.s32 $0xFFFFF000  }
0x29: {  	_ =	swait.ge [sflag:s22], $0x200  }
0x2a: {  	[sflag:s22] =	ssyncset.done $0x0  }
0x2b: {  	[sflag:s22] =	ssyncadd.s32 $0xFFFFFE00  }
0x2c: {  	_ =	swait.ge [sflag:s23], $0x1000  }
0x2d: {  	[sflag:s23] =	ssyncset.done $0x0  }
0x2e: {  	[sflag:s23] =	ssyncadd.s32 $0xFFFFF000  }
0x2f: {  	_ =	swait.ge [sflag:s24], $0x200  }
0x30: {  	[sflag:s24] =	ssyncset.done $0x0  }
0x31: {  	[sflag:s24] =	ssyncadd.s32 $0xFFFFFE00  }
0x32: {  	_ =	swait.ge [sflag:s25], $0x200  }
0x33: {  	[sflag:s25] =	ssyncset.done $0x0  }
0x34: {  	[sflag:s25] =	ssyncadd.s32 $0xFFFFFE00  }
0x35: {  	v1 =	vld [tilespmem:s1+$0x0]  }
0x36: {  	v2 =	vor.u32 s2, v0;
	_ =	sdelay $0x4  }
0x37: {  	v5 =	vld.idx.msk [tilespmem:v2+s14+$0x0], $0xffff;
	s1 =	simm.s32 $0x3610  }
0x38: {  	v3 =	vld [tilespmem:s1+$0x0]  }
0x39: {  	s30 =	simm.s32 $0x10;
	v6 =	vld.idx.msk [tilespmem:v1+s2+$0x0], $0xffff  }
0x3a: {  	v4 =	vor.u32 s30, v0;
	v7 =	vld.idx.msk [tilespmem:v2+s16+$0x0], $0xffff  }
0x3b: {  	v8 =	vld.idx.msk [tilespmem:v1+s15+$0x0], $0xffff  }
0x3c: {  	v9 =	vld.idx.msk [tilespmem:v2+s18+$0x0], $0xffff  }
0x3d: {  	v10 =	vld.idx.msk [tilespmem:v1+s17+$0x0], $0xffff  }
0x3e: {  	v1 =	vsub.f32 v5, v6  }
0x3f: {  	v2 =	vld.idx.msk [tilespmem:v4+s16+$0x0], $0xffff  }
0x40: {  	v5 =	vld.idx.msk [tilespmem:v4+s14+$0x0], $0xffff;
	v8 =	vsub.f32 v7, v8;
	v11 =	vmul.f32 v1, v1  }
0x41: {  	s30 =	simm.s32 $0x3620;
	v7 =	vimm.f32 $0.0e+00;
	v6 =	vld.idx.msk [tilespmem:v3+s2+$0x0], $0xffff  }
0x42: {  	s31 =	simm.s32 $0x20;
	s1 =	simm.s32 $0x30;
	v9 =	vsub.f32 v9, v10;
	v1 =	vld [tilespmem:s30+$0x0];
	v8 =	vmul.f32 v8, v8;
	v7 =	vadd.f32 v11, v7  }
.LBB2_2:
0x43: {  	p0 =	sne.s32 s1, $0x1F0;
	v10 =	vor.u32 s31, v0;
	v11 =	vld.idx.msk [tilespmem:v3+s15+$0x0], $0xffff;
	s31 =	smov.u32 s1  }
0x44: {  	v12 =	vld.idx.msk [tilespmem:v4+s18+$0x0], $0xffff;
	v7 =	vadd.f32 v8, v7;
	v8 =	vmul.f32 v9, v9;
	v4 =	vmov v10  }
0x45: {  	v13 =	vmov v2;
	v9 =	vld.idx.msk [tilespmem:v3+s17+$0x0], $0xffff  }
0x46: {  	v7 =	vadd.f32 v8, v7  }
.Ltmp0:
0x47: {  	v6 =	vsub.f32 v5, v6;
	v3 =	vmov v1;
	(pc) =	sbr.rel @p0 .LBB2_2-.Ltmp0, $4  }
0x48: {  	v2 =	vld.idx.msk [tilespmem:v10+s16+$0x0], $0xffff  }
0x49: {  	v8 =	vmul.f32 v6, v6;
	v5 =	vld.idx.msk [tilespmem:v10+s14+$0x0], $0xffff;
	v10 =	vsub.f32 v13, v11  }
0x4a: {  	s30 =	sadd.s32 $0x10, s30;
	v6 =	vld.idx.msk [tilespmem:v1+s2+$0x0], $0xffff  }
0x4b: {  	s1 =	sadd.s32 $0x10, s1;
	v7 =	vadd.f32 v8, v7;
	v9 =	vsub.f32 v12, v9;
	v1 =	vld [tilespmem:s30+$0x0];
	v8 =	vmul.f32 v10, v10  }
0x4c: {  	_ =	sdelay $0x3  }
0x4d: {  	v10 =	vor.u32 s31, v0  }
0x4e: {  	v11 =	vld.idx.msk [tilespmem:v3+s15+$0x0], $0xffff  }
0x4f: {  	v4 =	vld.idx.msk [tilespmem:v4+s18+$0x0], $0xffff  }
0x50: {  	v3 =	vld.idx.msk [tilespmem:v3+s17+$0x0], $0xffff  }
0x51: {  	v7 =	vadd.f32 v8, v7;
	v56 =	vmul.f32 v9, v9;
	v5 =	vsub.f32 v5, v6;
	v58 =	vld.idx.msk [tilespmem:v1+s2+$0x0], $0xffff  }
0x52: {  	v57 =	vld.idx.msk [tilespmem:v10+s14+$0x0], $0xffff  }
0x53: {  	v7 =	vadd.f32 v56, v7;
	v60 =	vld.idx.msk [tilespmem:v1+s15+$0x0], $0xffff;
	v5 =	vmul.f32 v5, v5;
	v2 =	vsub.f32 v2, v11  }
0x54: {  	v59 =	vld.idx.msk [tilespmem:v10+s16+$0x0], $0xffff  }
0x55: {  	v1 =	vld.idx.msk [tilespmem:v1+s17+$0x0], $0xffff;
	v3 =	vsub.f32 v4, v3;
	v5 =	vadd.f32 v5, v7;
	v2 =	vmul.f32 v2, v2  }
0x56: {  	v61 =	vld.idx.msk [tilespmem:v10+s18+$0x0], $0xffff  }
0x57: {  	v3 =	vmul.f32 v3, v3;
	v2 =	vadd.f32 v2, v5;
	v62 =	vsub.f32 v57, v58;
	_ =	sdelay $0x1  }
0x58: {  	v63 =	vsub.f32 v59, v60;
	v2 =	vadd.f32 v3, v2;
	v3 =	vmul.f32 v62, v62;
	_ =	sdelay $0x1  }
0x59: {  	v1 =	vsub.f32 v61, v1;
	v2 =	vadd.f32 v3, v2;
	v3 =	vmul.f32 v63, v63;
	_ =	sdelay $0x1  }
0x5a: {  	v1 =	vmul.f32 v1, v1;
	v2 =	vadd.f32 v3, v2;
	_ =	sdelay $0x1  }
0x5b: {  	v1 =	vadd.f32 v1, v2;
	_ =	sdelay $0x1  }
0x5c: {  	s29 =	sadd.s32 $0x1, s29;
	v1 =	vmul.f32 $8.138021070e-05, v1  }
0x5d: {  	p0 =	sne.s32 s29, s11  }
.Ltmp1:
0x5e: {  	[tilespmem:$0x3800] =	vst v1;
	(pc) =	sbr.rel @p0 .LBB2_1-.Ltmp1, $4  }
0x5f: {  	[hbm4b:s10+s2] =	stream.linear.scatter [tilespmem:s26], [sflag:$0x8], $0x10, $0x38;
	[tilespmem:$0x3880] =	vst v63  }
0x60: {  	_ =	swait.ge [sflag:s28], $0x10  }
0x61: {  	[sflag:s28] =	ssyncset.done $0x0  }
0x62: {  	[sflag:s28] =	ssyncadd.s32 $0xFFFFFFF0  }
0x63: {  	_ =	sfence.sel $0x180000  }
0x64: {  	[bflag:$0x0] =	sbarrier.arrive $0xFFFF  }
0x65: {  	_ =	strace $0x90000047  }
0x66: {  	[bflag:$0x2] =	sbarrier.arrive $0xFFFF  }
0x67: {  	p0 =	sne.s32 s0, $0x0;
	s0 =	rddreg [dreg:$0x1]  }
0x68: {  	s0 =	sadd.s32 @!p0 $0x100000, s0  }
0x69: {  	[sflag:s0] =	ssyncadd.tile.s32 @!p0 $0x1;
	_ =	shalt  }
.Lfunc_end2:
_tile_overlayer_lowered:
.L_overlay_start_2:
0x6a: {  	(tag) =	ssettag $0x2  }
0x6b: {  	s0 =	rddreg [dreg:$0x0];
	s2 =	stileid.u32  }
0x6c: {  	s1 =	rddreg [dreg:$0x1];
	p0 =	sne.s32 s2, $0x0  }
0x6d: {  	s3 =	rddreg [dreg:$0x2];
	[bflag:$0x3] =	sbarrier.arrive $0xFFFF;
	s2 =	simm.s32 @!p0 $0x1C08  }
0x6e: {  	[timem:s3], [sflag:s2] =	dma.local @!p0 [hbm:s0], s1  }
0x6f: {  	s0 =	simm.s32 @!p0 $0x8  }
0x70: {  	_ =	swait.ge @!p0 [sflag:s0], s1  }
0x71: {  	s1 =	ssub.s32 @!p0 $0x0, s1;
	[sflag:s0] =	ssyncset.done @!p0 $0x0  }
0x72: {  	[sflag:s0] =	ssyncadd.s32 @!p0 s1  }
0x73: {  	[bflag:$0x3] =	sbarrier.arrive $0xFFFF  }
0x74: {  	_ =	shalt  }

</sc_bundles>
